<compile_context>
chip_gen: v7x
topology: tpu7x:2x2x1
jax: 0.10.2.dev20260603
libtpu: 0.0.44.dev20260713+nightly
codegen_flags: <defaults>
</compile_context>

<pallas_src>
import functools

import jax
import jax.numpy as jnp
from jax import lax
from jax.experimental import pallas as pl
from jax.experimental.pallas import tpu as pltpu
from jax.experimental.pallas import tpu_sc as plsc

B, T, E = 8, 2048, 256
S, WMAX = 512, 10
H = 150

_NC, _NS = 2, 16
_NW = _NC * _NS
_PW = (B * S) // _NW
_WPB = S // _PW


def _attn_weighted_body(x_ref, st_ref, wd_ref, w1_ref, b1_ref, w2_ref,
                        b2_ref, w3_ref, b3_ref, wt_ref):
    b = pl.program_id(0)
    x = x_ref[0]
    xb = x.astype(jnp.bfloat16)
    h = jnp.maximum(
        jnp.dot(xb, w1_ref[...].astype(jnp.bfloat16),
                preferred_element_type=jnp.float32) + b1_ref[...][None, :],
        0.0)
    h = jnp.maximum(
        jnp.dot(h.astype(jnp.bfloat16), w2_ref[...].astype(jnp.bfloat16),
                preferred_element_type=jnp.float32) + b2_ref[...][None, :],
        0.0)
    a = (jnp.dot(h.astype(jnp.bfloat16), w3_ref[...].astype(jnp.bfloat16),
                 preferred_element_type=jnp.float32)
         + b3_ref[...][None, :])

    zb = (x * a).astype(jnp.bfloat16)

    tok = lax.broadcasted_iota(jnp.int32, (T, S), 0)
    s = st_ref[pl.ds(b, 1), :]
    e = s + wd_ref[pl.ds(b, 1), :]
    dt = ((tok >= s) & (tok <= e)).astype(jnp.bfloat16)
    wt_ref[0] = lax.dot_general(
        dt, zb, dimension_numbers=(((0,), (0,)), ((), ())),
        preferred_element_type=jnp.float32)


def _attn_weighted(batch_embeds, starts, widths, w1, b1, w2, b2, w3, b3):
    return pl.pallas_call(
        _attn_weighted_body,
        grid=(B,),
        in_specs=[
            pl.BlockSpec((1, T, E), lambda b: (b, 0, 0)),
            pl.BlockSpec((B, S), lambda b: (0, 0)),
            pl.BlockSpec((B, S), lambda b: (0, 0)),
            pl.BlockSpec((E, H), lambda b: (0, 0)),
            pl.BlockSpec((H,), lambda b: (0,)),
            pl.BlockSpec((H, H), lambda b: (0, 0)),
            pl.BlockSpec((H,), lambda b: (0,)),
            pl.BlockSpec((H, 1), lambda b: (0, 0)),
            pl.BlockSpec((1,), lambda b: (0,)),
        ],
        out_specs=pl.BlockSpec((1, S, E), lambda b: (b, 0, 0)),
        out_shape=jax.ShapeDtypeStruct((B, S, E), jnp.float32),
    )(batch_embeds, starts, widths, w1, b1, w2, b2, w3, b3)


def _sc_gather_se(table, starts, widths):
    d = table.shape[1]
    n = B * S
    mesh = plsc.VectorSubcoreMesh(core_axis_name="c", subcore_axis_name="s")
    row = jax.ShapeDtypeStruct((n, d), table.dtype)

    @functools.partial(
        pl.kernel,
        mesh=mesh,
        out_type=[row, row],
        scratch_types=[
            pltpu.VMEM((_PW,), jnp.int32),
            pltpu.VMEM((_PW,), jnp.int32),
            pltpu.VMEM((_PW,), jnp.int32),
            pltpu.VMEM((_PW,), jnp.int32),
            pltpu.VMEM((_PW, d), jnp.float32),
            pltpu.VMEM((_PW, d), jnp.float32),
            pltpu.SemaphoreType.DMA,
            pltpu.SemaphoreType.DMA,
        ],
    )
    def k(t_hbm, st_hbm, wd_hbm, oa_hbm, ob_hbm, st_v, wd_v, fa_v, fb_v,
          ra_v, rb_v, sa, sb):
        wid = lax.axis_index("s") * _NC + lax.axis_index("c")
        base = wid * _PW
        b = wid // _WPB
        col = (wid - b * _WPB) * _PW
        boff = b * T
        pltpu.sync_copy(st_hbm.at[b, pl.ds(col, _PW)], st_v)
        pltpu.sync_copy(wd_hbm.at[b, pl.ds(col, _PW)], wd_v)

        @pl.loop(0, _PW, step=16)
        def _(i):
            s16 = st_v[pl.ds(i, 16)] + boff
            fa_v[pl.ds(i, 16)] = s16
            fb_v[pl.ds(i, 16)] = s16 + wd_v[pl.ds(i, 16)]

        ca = pltpu.async_copy(t_hbm.at[fa_v], ra_v, sa)
        cb = pltpu.async_copy(t_hbm.at[fb_v], rb_v, sb)
        ca.wait()
        pltpu.sync_copy(ra_v, oa_hbm.at[pl.ds(base, _PW)])
        cb.wait()
        pltpu.sync_copy(rb_v, ob_hbm.at[pl.ds(base, _PW)])

    return k(table, starts, widths)


def _mention_body(gs_ref, ge_ref, wt_ref, w1_ref, b1_ref, w2_ref, b2_ref,
                  w3_ref, b3_ref, se_ref, ms_ref):
    se = jnp.concatenate([gs_ref[...], ge_ref[...], wt_ref[0]], axis=1)
    se_ref[0] = se
    h = jnp.maximum(
        jnp.dot(se.astype(jnp.bfloat16), w1_ref[...].astype(jnp.bfloat16),
                preferred_element_type=jnp.float32) + b1_ref[...][None, :],
        0.0)
    h = jnp.maximum(
        jnp.dot(h.astype(jnp.bfloat16), w2_ref[...].astype(jnp.bfloat16),
                preferred_element_type=jnp.float32) + b2_ref[...][None, :],
        0.0)
    ms_ref[0] = (jnp.dot(h.astype(jnp.bfloat16),
                         w3_ref[...].astype(jnp.bfloat16),
                         preferred_element_type=jnp.float32)
                 + b3_ref[...][None, :])


def _mention(gs, ge, wt, w1, b1, w2, b2, w3, b3):
    row_spec = pl.BlockSpec((S, E), lambda i: (i, 0))
    return pl.pallas_call(
        _mention_body,
        grid=(B,),
        in_specs=[
            row_spec, row_spec,
            pl.BlockSpec((1, S, E), lambda i: (i, 0, 0)),
            pl.BlockSpec((3 * E, H), lambda i: (0, 0)),
            pl.BlockSpec((H,), lambda i: (0,)),
            pl.BlockSpec((H, H), lambda i: (0, 0)),
            pl.BlockSpec((H,), lambda i: (0,)),
            pl.BlockSpec((H, 1), lambda i: (0, 0)),
            pl.BlockSpec((1,), lambda i: (0,)),
        ],
        out_specs=[
            pl.BlockSpec((1, S, 3 * E), lambda i: (i, 0, 0)),
            pl.BlockSpec((1, S, 1), lambda i: (i, 0, 0)),
        ],
        out_shape=[
            jax.ShapeDtypeStruct((B, S, 3 * E), jnp.float32),
            jax.ShapeDtypeStruct((B, S, 1), jnp.float32),
        ],
    )(gs, ge, wt, w1, b1, w2, b2, w3, b3)


def kernel(batch_embeds, span_starts, span_widths, Wa1, ba1, Wa2, ba2, Wa3,
           ba3, Ws1, bs1, Ws2, bs2, Ws3, bs3):
    starts = span_starts.astype(jnp.int32)
    widths = span_widths.astype(jnp.int32)

    emb_flat = batch_embeds.reshape(B * T, E)
    gs, ge = _sc_gather_se(emb_flat, starts, widths)
    wt = _attn_weighted(batch_embeds, starts, widths, Wa1, ba1, Wa2, ba2,
                        Wa3, ba3)
    span_embeds, scores = _mention(gs, ge, wt, Ws1, bs1, Ws2, bs2, Ws3, bs3)
    return span_embeds, scores

# --- scband reference (transcript-rebuilt; emitter-appended) ---
"""Pipeline reference for scband-mention-score-42451456753704 (READ-ONLY COPY).

The authoritative reference and input builder live on the scoring server;
editing this copy changes nothing except your own understanding.
"""

import jax, jax.numpy as jnp
import numpy as np

B, T, E = 8, 2048, 256
S, WMAX = 512, 10
H = 150


def mlp(x, W1, b1, W2, b2, W3, b3):
    h = jax.nn.relu(x @ W1 + b1)
    h = jax.nn.relu(h @ W2 + b2)
    return h @ W3 + b3


def setup_inputs(seed: int = 0):
    key = jax.random.key(seed)
    ks = jax.random.split(key, 9)
    batch_embeds = jax.random.normal(ks[0], (B, T, E), dtype=jnp.float32)
    span_starts = jax.random.randint(ks[1], (B, S), 0, T - WMAX).astype(jnp.int64)
    span_widths = jax.random.randint(ks[2], (B, S), 0, WMAX).astype(jnp.int64)

    def lin(k, fin, fout):
        kw, kb = jax.random.split(k)
        scale = 1.0 / np.sqrt(fin)
        W = jax.random.uniform(kw, (fin, fout), minval=-scale, maxval=scale, dtype=jnp.float32)
        b = jax.random.uniform(kb, (fout,), minval=-scale, maxval=scale, dtype=jnp.float32)
        return W, b

    Wa1, ba1 = lin(ks[3], E, H)
    Wa2, ba2 = lin(ks[4], H, H)
    Wa3, ba3 = lin(ks[5], H, 1)
    Ws1, bs1 = lin(ks[6], 3 * E, H)
    Ws2, bs2 = lin(ks[7], H, H)
    Ws3, bs3 = lin(ks[8], H, 1)
    return {
        "batch_embeds": batch_embeds,
        "span_starts": span_starts,
        "span_widths": span_widths,
        "Wa1": Wa1, "ba1": ba1, "Wa2": Wa2, "ba2": ba2, "Wa3": Wa3, "ba3": ba3,
        "Ws1": Ws1, "bs1": bs1, "Ws2": Ws2, "bs2": bs2, "Ws3": Ws3, "bs3": bs3,
    }


def reference(batch_embeds, span_starts, span_widths, Wa1, ba1, Wa2, ba2, Wa3, ba3, Ws1, bs1, Ws2, bs2, Ws3, bs3):
    # attention score per token: [B, T, 1]
    attns = mlp(batch_embeds, Wa1, ba1, Wa2, ba2, Wa3, ba3)
    gather = jax.vmap(lambda e, i: e[i])
    # start/end token embeddings (end = start + width, inclusive range)
    start_emb = gather(batch_embeds, span_starts)  # [B, S, E]
    span_ends = span_starts + span_widths
    end_emb = gather(batch_embeds, span_ends)  # [B, S, E]
    # attention-weighted sum over the consecutive token range of each span
    offs = jnp.arange(WMAX)
    tok_idx = jnp.clip(span_starts[:, :, None] + offs[None, None, :], 0, T - 1)  # [B, S, WMAX]
    mask = (offs[None, None, :] <= span_widths[:, :, None]).astype(batch_embeds.dtype)
    tok_flat = tok_idx.reshape(B, S * WMAX)
    g_emb = gather(batch_embeds, tok_flat).reshape(B, S, WMAX, E)
    g_attn = gather(attns, tok_flat).reshape(B, S, WMAX, 1)
    weighted = jnp.sum(g_emb * g_attn * mask[..., None], axis=2)  # [B, S, E]
    span_embeds = jnp.concatenate([start_emb, end_emb, weighted], axis=-1)  # [B, S, 3E]
    mention_scores = mlp(span_embeds, Ws1, bs1, Ws2, bs2, Ws3, bs3)  # [B, S, 1]
    return span_embeds, mention_scores

if __name__ == "__main__":
    import jax
    _d = setup_inputs()
    print(jax.jit(kernel)(*tuple(_d.values())))

</pallas_src>

<mosaic_0001>
#map = affine_map<(d0, d1) -> (0, 0)>
module attributes {stable_mosaic.version = 14 : i64} {
  func.func @k(%arg0: i32, %arg1: i32, %arg2: memref<16384x256xf32, #tpu.memory_space<hbm>>, %arg3: memref<8x512xi32, #tpu.memory_space<hbm>>, %arg4: memref<8x512xi32, #tpu.memory_space<hbm>>, %arg5: memref<4096x256xf32, #tpu.memory_space<hbm>>, %arg6: memref<4096x256xf32, #tpu.memory_space<hbm>>, %arg7: memref<128xi32, #tpu.memory_space<vmem>>, %arg8: memref<128xi32, #tpu.memory_space<vmem>>, %arg9: memref<128xi32, #tpu.memory_space<vmem>>, %arg10: memref<128xi32, #tpu.memory_space<vmem>>, %arg11: memref<128x256xf32, #tpu.memory_space<vmem>>, %arg12: memref<128x256xf32, #tpu.memory_space<vmem>>, %arg13: memref<!tpu.dma_semaphore, #tpu.memory_space<semaphore_mem>>, %arg14: memref<!tpu.dma_semaphore, #tpu.memory_space<semaphore_mem>>) attributes {dimension_semantics = [#tpu.dimension_semantics<core_parallel>, #tpu.dimension_semantics<subcore_parallel>], iteration_bounds = array<i64: 2, 16>, scalar_prefetch = 0 : i64, scratch_operands = 8 : i64, tpu.core_type = #tpu.core_type<sc_vector_subcore>, window_params = [{transform_indices = #map}, {transform_indices = #map}, {transform_indices = #map}, {transform_indices = #map}, {transform_indices = #map}]} {
    %mul3A = arith.constant 2 : i32
    %mul3A_0 = arith.muli %arg1, %mul3A : i32
    %add3A = arith.addi %mul3A_0, %arg0 : i32
    %mul3A_1 = arith.constant 128 : i32
    %mul3A_2 = arith.muli %add3A, %mul3A_1 : i32
    %jit3A = arith.constant 4 : i32
    %div3A = arith.divsi %add3A, %jit3A : i32
    %sign3A = arith.constant 0 : i32
    %sign3A_3 = arith.cmpi sgt, %add3A, %sign3A : i32
    %sign3A_4 = arith.extui %sign3A_3 : i1 to i32
    %sign3A_5 = arith.constant 0 : i32
    %sign3A_6 = arith.cmpi slt, %add3A, %sign3A_5 : i32
    %sign3A_7 = arith.extui %sign3A_6 : i1 to i32
    %sign3A_8 = arith.subi %sign3A_4, %sign3A_7 : i32
    %sign3A_9 = arith.constant 0 : i32
    %sign3A_10 = arith.cmpi sgt, %jit3A, %sign3A_9 : i32
    %sign3A_11 = arith.extui %sign3A_10 : i1 to i32
    %sign3A_12 = arith.constant 0 : i32
    %sign3A_13 = arith.cmpi slt, %jit3A, %sign3A_12 : i32
    %sign3A_14 = arith.extui %sign3A_13 : i1 to i32
    %sign3A_15 = arith.subi %sign3A_11, %sign3A_14 : i32
    %ne3A = arith.cmpi ne, %sign3A_8, %sign3A_15 : i32
    %rem3A = arith.remsi %add3A, %jit3A : i32
    %ne3A_16 = arith.constant 0 : i32
    %ne3A_17 = arith.cmpi ne, %rem3A, %ne3A_16 : i32
    %and3A = arith.andi %ne3A, %ne3A_17 : i1
    %sub3A = arith.constant 1 : i32
    %sub3A_18 = arith.subi %div3A, %sub3A : i32
    %select_n3A = arith.select %and3A, %sub3A_18, %div3A : i32
    %mul3A_19 = arith.constant 4 : i32
    %mul3A_20 = arith.muli %select_n3A, %mul3A_19 : i32
    %sub3A_21 = arith.subi %add3A, %mul3A_20 : i32
    %mul3A_22 = arith.constant 128 : i32
    %mul3A_23 = arith.muli %sub3A_21, %mul3A_22 : i32
    %mul3A_24 = arith.constant 2048 : i32
    %mul3A_25 = arith.muli %select_n3A, %mul3A_24 : i32
    "tpu.region"() ({
      %run_scoped3A = tpu.sem_alloc : memref<!tpu.dma_semaphore, #tpu.memory_space<semaphore_mem>>
      %dma_start3A_40 = tpu.memref_slice %arg3[%select_n3A, %mul3A_23] : memref<8x512xi32, #tpu.memory_space<hbm>> -> memref<1x128xi32, #tpu.memory_space<hbm>>
      %dma_start3A_41 = tpu.memref_squeeze %dma_start3A_40 : memref<1x128xi32, #tpu.memory_space<hbm>> -> memref<128xi32, #tpu.memory_space<hbm>>
      %dma_start3A_42 = tpu.memref_slice %arg3[%select_n3A, %mul3A_23] : memref<8x512xi32, #tpu.memory_space<hbm>> -> memref<1x128xi32, #tpu.memory_space<hbm>>
      %dma_start3A_43 = tpu.memref_squeeze %dma_start3A_42 : memref<1x128xi32, #tpu.memory_space<hbm>> -> memref<128xi32, #tpu.memory_space<hbm>>
      tpu.enqueue_dma source(%dma_start3A_43 : memref<128xi32, #tpu.memory_space<hbm>>) target(%arg7 : memref<128xi32, #tpu.memory_space<vmem>>) target_semaphore(%run_scoped3A : memref<!tpu.dma_semaphore, #tpu.memory_space<semaphore_mem>>)
      %dma_wait3A_44 = tpu.memref_slice %arg3[%select_n3A, %mul3A_23] : memref<8x512xi32, #tpu.memory_space<hbm>> -> memref<1x128xi32, #tpu.memory_space<hbm>>
      %dma_wait3A_45 = tpu.memref_squeeze %dma_wait3A_44 : memref<1x128xi32, #tpu.memory_space<hbm>> -> memref<128xi32, #tpu.memory_space<hbm>>
      %dma_wait3A_46 = tpu.memref_slice %arg3[%select_n3A, %mul3A_23] : memref<8x512xi32, #tpu.memory_space<hbm>> -> memref<1x128xi32, #tpu.memory_space<hbm>>
      %dma_wait3A_47 = tpu.memref_squeeze %dma_wait3A_46 : memref<1x128xi32, #tpu.memory_space<hbm>> -> memref<128xi32, #tpu.memory_space<hbm>>
      tpu.wait_dma2 semaphore(%run_scoped3A : memref<!tpu.dma_semaphore, #tpu.memory_space<semaphore_mem>>) src(%dma_wait3A_47 : memref<128xi32, #tpu.memory_space<hbm>>) dst(%arg7 : memref<128xi32, #tpu.memory_space<vmem>>)
      tpu.yield
    }) : () -> ()
    "tpu.region"() ({
      %run_scoped3A = tpu.sem_alloc : memref<!tpu.dma_semaphore, #tpu.memory_space<semaphore_mem>>
      %dma_start3A_40 = tpu.memref_slice %arg4[%select_n3A, %mul3A_23] : memref<8x512xi32, #tpu.memory_space<hbm>> -> memref<1x128xi32, #tpu.memory_space<hbm>>
      %dma_start3A_41 = tpu.memref_squeeze %dma_start3A_40 : memref<1x128xi32, #tpu.memory_space<hbm>> -> memref<128xi32, #tpu.memory_space<hbm>>
      %dma_start3A_42 = tpu.memref_slice %arg4[%select_n3A, %mul3A_23] : memref<8x512xi32, #tpu.memory_space<hbm>> -> memref<1x128xi32, #tpu.memory_space<hbm>>
      %dma_start3A_43 = tpu.memref_squeeze %dma_start3A_42 : memref<1x128xi32, #tpu.memory_space<hbm>> -> memref<128xi32, #tpu.memory_space<hbm>>
      tpu.enqueue_dma source(%dma_start3A_43 : memref<128xi32, #tpu.memory_space<hbm>>) target(%arg8 : memref<128xi32, #tpu.memory_space<vmem>>) target_semaphore(%run_scoped3A : memref<!tpu.dma_semaphore, #tpu.memory_space<semaphore_mem>>)
      %dma_wait3A_44 = tpu.memref_slice %arg4[%select_n3A, %mul3A_23] : memref<8x512xi32, #tpu.memory_space<hbm>> -> memref<1x128xi32, #tpu.memory_space<hbm>>
      %dma_wait3A_45 = tpu.memref_squeeze %dma_wait3A_44 : memref<1x128xi32, #tpu.memory_space<hbm>> -> memref<128xi32, #tpu.memory_space<hbm>>
      %dma_wait3A_46 = tpu.memref_slice %arg4[%select_n3A, %mul3A_23] : memref<8x512xi32, #tpu.memory_space<hbm>> -> memref<1x128xi32, #tpu.memory_space<hbm>>
      %dma_wait3A_47 = tpu.memref_squeeze %dma_wait3A_46 : memref<1x128xi32, #tpu.memory_space<hbm>> -> memref<128xi32, #tpu.memory_space<hbm>>
      tpu.wait_dma2 semaphore(%run_scoped3A : memref<!tpu.dma_semaphore, #tpu.memory_space<semaphore_mem>>) src(%dma_wait3A_47 : memref<128xi32, #tpu.memory_space<hbm>>) dst(%arg8 : memref<128xi32, #tpu.memory_space<vmem>>)
      tpu.yield
    }) : () -> ()
    %scan3A = arith.constant 0 : i32
    %scan3A_26 = arith.constant 8 : i32
    %scan3A_27 = arith.addi %scan3A, %scan3A_26 : i32
    %scan3A_28 = arith.constant 1 : i32
    scf.for %scan3A_40 = %scan3A to %scan3A_27 step %scan3A_28  : i32 {
      %mul3A_41 = arith.constant 16 : i32
      %mul3A_42 = arith.muli %scan3A_40, %mul3A_41 : i32
      %add3A_43 = arith.constant 0 : i32
      %add3A_44 = arith.addi %add3A_43, %mul3A_42 : i32
      %get3A = arith.index_cast %add3A_44 : i32 to index
      %get3A_45 = tpu.vector_load %arg7[%get3A] {strides = array<i32>} : memref<128xi32, #tpu.memory_space<vmem>>, vector<16xi32>,
      %get3A_46 = vector.shape_cast %get3A_45 : vector<16xi32> to vector<16xi32>
      %add3A_47 = vector.broadcast %mul3A_25 : i32 to vector<16xi32>
      %add3A_48 = arith.addi %get3A_46, %add3A_47 : vector<16xi32>
      %swap3A = arith.index_cast %add3A_44 : i32 to index
      %swap3A_49 = tpu.vector_load %arg9[%swap3A] {strides = array<i32>} : memref<128xi32, #tpu.memory_space<vmem>>, vector<16xi32>,
      %swap3A_50 = vector.shape_cast %swap3A_49 : vector<16xi32> to vector<16xi32>
      %swap3A_51 = vector.shape_cast %add3A_48 : vector<16xi32> to vector<16xi32>
      tpu.vector_store %arg9[%swap3A], %swap3A_51 {strides = array<i32>} : memref<128xi32, #tpu.memory_space<vmem>>, vector<16xi32>,
      %get3A_52 = arith.index_cast %add3A_44 : i32 to index
      %get3A_53 = tpu.vector_load %arg8[%get3A_52] {strides = array<i32>} : memref<128xi32, #tpu.memory_space<vmem>>, vector<16xi32>,
      %get3A_54 = vector.shape_cast %get3A_53 : vector<16xi32> to vector<16xi32>
      %add3A_55 = arith.addi %add3A_48, %get3A_54 : vector<16xi32>
      %swap3A_56 = arith.index_cast %add3A_44 : i32 to index
      %swap3A_57 = tpu.vector_load %arg10[%swap3A_56] {strides = array<i32>} : memref<128xi32, #tpu.memory_space<vmem>>, vector<16xi32>,
      %swap3A_58 = vector.shape_cast %swap3A_57 : vector<16xi32> to vector<16xi32>
      %swap3A_59 = vector.shape_cast %add3A_55 : vector<16xi32> to vector<16xi32>
      tpu.vector_store %arg10[%swap3A_56], %swap3A_59 {strides = array<i32>} : memref<128xi32, #tpu.memory_space<vmem>>, vector<16xi32>,
    }
    %scan3A_29 = arith.constant 8 : i32
    %dma_start3A = arith.constant 0 : i32
    %dma_start3A_30 = arith.constant 0 : i32
    %dma_start3A_31 = tpu.memref_slice %arg2[%dma_start3A, %dma_start3A_30] : memref<16384x256xf32, #tpu.memory_space<hbm>> -> memref<16384x256xf32, #tpu.memory_space<hbm>>
    tpu.enqueue_indirect_dma source(%dma_start3A_31 : memref<16384x256xf32, #tpu.memory_space<hbm>>) target(%arg11 : memref<128x256xf32, #tpu.memory_space<vmem>>) offsets(%arg9 : memref<128xi32, #tpu.memory_space<vmem>>) semaphore(%arg13 : memref<!tpu.dma_semaphore, #tpu.memory_space<semaphore_mem>>)
    %dma_start3A_32 = arith.constant 0 : i32
    %dma_start3A_33 = arith.constant 0 : i32
    %dma_start3A_34 = tpu.memref_slice %arg2[%dma_start3A_32, %dma_start3A_33] : memref<16384x256xf32, #tpu.memory_space<hbm>> -> memref<16384x256xf32, #tpu.memory_space<hbm>>
    tpu.enqueue_indirect_dma source(%dma_start3A_34 : memref<16384x256xf32, #tpu.memory_space<hbm>>) target(%arg12 : memref<128x256xf32, #tpu.memory_space<vmem>>) offsets(%arg10 : memref<128xi32, #tpu.memory_space<vmem>>) semaphore(%arg14 : memref<!tpu.dma_semaphore, #tpu.memory_space<semaphore_mem>>)
    %dma_wait3A = arith.constant 0 : i32
    %dma_wait3A_35 = arith.constant 0 : i32
    %dma_wait3A_36 = tpu.memref_slice %arg2[%dma_wait3A, %dma_wait3A_35] : memref<16384x256xf32, #tpu.memory_space<hbm>> -> memref<16384x256xf32, #tpu.memory_space<hbm>>
    tpu.wait_indirect_dma semaphore(%arg13 : memref<!tpu.dma_semaphore, #tpu.memory_space<semaphore_mem>>) src(%dma_wait3A_36 : memref<16384x256xf32, #tpu.memory_space<hbm>>) dst(%arg11 : memref<128x256xf32, #tpu.memory_space<vmem>>)
    "tpu.region"() ({
      %run_scoped3A = tpu.sem_alloc : memref<!tpu.dma_semaphore, #tpu.memory_space<semaphore_mem>>
      %dma_start3A_40 = arith.constant 0 : i32
      %dma_start3A_41 = tpu.memref_slice %arg5[%mul3A_2, %dma_start3A_40] : memref<4096x256xf32, #tpu.memory_space<hbm>> -> memref<128x256xf32, #tpu.memory_space<hbm>>
      %dma_start3A_42 = arith.constant 0 : i32
      %dma_start3A_43 = tpu.memref_slice %arg5[%mul3A_2, %dma_start3A_42] : memref<4096x256xf32, #tpu.memory_space<hbm>> -> memref<128x256xf32, #tpu.memory_space<hbm>>
      tpu.enqueue_dma source(%arg11 : memref<128x256xf32, #tpu.memory_space<vmem>>) target(%dma_start3A_43 : memref<128x256xf32, #tpu.memory_space<hbm>>) target_semaphore(%run_scoped3A : memref<!tpu.dma_semaphore, #tpu.memory_space<semaphore_mem>>)
      %dma_wait3A_44 = arith.constant 0 : i32
      %dma_wait3A_45 = tpu.memref_slice %arg5[%mul3A_2, %dma_wait3A_44] : memref<4096x256xf32, #tpu.memory_space<hbm>> -> memref<128x256xf32, #tpu.memory_space<hbm>>
      %dma_wait3A_46 = arith.constant 0 : i32
      %dma_wait3A_47 = tpu.memref_slice %arg5[%mul3A_2, %dma_wait3A_46] : memref<4096x256xf32, #tpu.memory_space<hbm>> -> memref<128x256xf32, #tpu.memory_space<hbm>>
      tpu.wait_dma2 semaphore(%run_scoped3A : memref<!tpu.dma_semaphore, #tpu.memory_space<semaphore_mem>>) src(%arg11 : memref<128x256xf32, #tpu.memory_space<vmem>>) dst(%dma_wait3A_47 : memref<128x256xf32, #tpu.memory_space<hbm>>)
      tpu.yield
    }) : () -> ()
    %dma_wait3A_37 = arith.constant 0 : i32
    %dma_wait3A_38 = arith.constant 0 : i32
    %dma_wait3A_39 = tpu.memref_slice %arg2[%dma_wait3A_37, %dma_wait3A_38] : memref<16384x256xf32, #tpu.memory_space<hbm>> -> memref<16384x256xf32, #tpu.memory_space<hbm>>
    tpu.wait_indirect_dma semaphore(%arg14 : memref<!tpu.dma_semaphore, #tpu.memory_space<semaphore_mem>>) src(%dma_wait3A_39 : memref<16384x256xf32, #tpu.memory_space<hbm>>) dst(%arg12 : memref<128x256xf32, #tpu.memory_space<vmem>>)
    "tpu.region"() ({
      %run_scoped3A = tpu.sem_alloc : memref<!tpu.dma_semaphore, #tpu.memory_space<semaphore_mem>>
      %dma_start3A_40 = arith.constant 0 : i32
      %dma_start3A_41 = tpu.memref_slice %arg6[%mul3A_2, %dma_start3A_40] : memref<4096x256xf32, #tpu.memory_space<hbm>> -> memref<128x256xf32, #tpu.memory_space<hbm>>
      %dma_start3A_42 = arith.constant 0 : i32
      %dma_start3A_43 = tpu.memref_slice %arg6[%mul3A_2, %dma_start3A_42] : memref<4096x256xf32, #tpu.memory_space<hbm>> -> memref<128x256xf32, #tpu.memory_space<hbm>>
      tpu.enqueue_dma source(%arg12 : memref<128x256xf32, #tpu.memory_space<vmem>>) target(%dma_start3A_43 : memref<128x256xf32, #tpu.memory_space<hbm>>) target_semaphore(%run_scoped3A : memref<!tpu.dma_semaphore, #tpu.memory_space<semaphore_mem>>)
      %dma_wait3A_44 = arith.constant 0 : i32
      %dma_wait3A_45 = tpu.memref_slice %arg6[%mul3A_2, %dma_wait3A_44] : memref<4096x256xf32, #tpu.memory_space<hbm>> -> memref<128x256xf32, #tpu.memory_space<hbm>>
      %dma_wait3A_46 = arith.constant 0 : i32
      %dma_wait3A_47 = tpu.memref_slice %arg6[%mul3A_2, %dma_wait3A_46] : memref<4096x256xf32, #tpu.memory_space<hbm>> -> memref<128x256xf32, #tpu.memory_space<hbm>>
      tpu.wait_dma2 semaphore(%run_scoped3A : memref<!tpu.dma_semaphore, #tpu.memory_space<semaphore_mem>>) src(%arg12 : memref<128x256xf32, #tpu.memory_space<vmem>>) dst(%dma_wait3A_47 : memref<128x256xf32, #tpu.memory_space<hbm>>)
      tpu.yield
    }) : () -> ()
    return
  }
}

module attributes {stable_mosaic.version = 14 : i64} {
  func.func @_mention_body(%arg0: i32, %arg1: memref<512x256xf32, #tpu.memory_space<vmem>>, %arg2: memref<512x256xf32, #tpu.memory_space<vmem>>, %arg3: memref<1x512x256xf32, #tpu.memory_space<vmem>>, %arg4: memref<768x150xf32, #tpu.memory_space<vmem>>, %arg5: memref<150xf32, #tpu.memory_space<vmem>>, %arg6: memref<150x150xf32, #tpu.memory_space<vmem>>, %arg7: memref<150xf32, #tpu.memory_space<vmem>>, %arg8: memref<150x1xf32, #tpu.memory_space<vmem>>, %arg9: memref<1xf32, #tpu.memory_space<vmem>>, %arg10: memref<1x512x768xf32, #tpu.memory_space<vmem>>, %arg11: memref<1x512x1xf32, #tpu.memory_space<vmem>>) attributes {dimension_semantics = [#tpu.dimension_semantics<arbitrary>], iteration_bounds = array<i64: 8>, scalar_prefetch = 0 : i64, scratch_operands = 0 : i64, tpu.core_type = #tpu.core_type<tc>, window_params = [{transform_indices = @transform_0, window_bounds = array<i64: 512, 256>}, {transform_indices = @transform_1, window_bounds = array<i64: 512, 256>}, {transform_indices = @transform_2, window_bounds = array<i64: 1, 512, 256>}, {pipeline_mode = #tpu.pipeline_mode<synchronous>, transform_indices = @transform_3, window_bounds = array<i64: 768, 150>}, {pipeline_mode = #tpu.pipeline_mode<synchronous>, transform_indices = @transform_4, window_bounds = array<i64: 150>}, {pipeline_mode = #tpu.pipeline_mode<synchronous>, transform_indices = @transform_5, window_bounds = array<i64: 150, 150>}, {pipeline_mode = #tpu.pipeline_mode<synchronous>, transform_indices = @transform_6, window_bounds = array<i64: 150>}, {pipeline_mode = #tpu.pipeline_mode<synchronous>, transform_indices = @transform_7, window_bounds = array<i64: 150, 1>}, {pipeline_mode = #tpu.pipeline_mode<synchronous>, transform_indices = @transform_8, window_bounds = array<i64: 1>}, {transform_indices = @transform_9, window_bounds = array<i64: 1, 512, 768>}, {transform_indices = @transform_10, window_bounds = array<i64: 1, 512, 1>}]} {
    %get3A = arith.constant 0 : index
    %get3A_0 = arith.constant 0 : index
    %get3A_1 = vector.load %arg1[%get3A, %get3A_0] : memref<512x256xf32, #tpu.memory_space<vmem>>, vector<512x256xf32>
    %get3A_2 = arith.constant 0 : index
    %get3A_3 = arith.constant 0 : index
    %get3A_4 = vector.load %arg2[%get3A_2, %get3A_3] : memref<512x256xf32, #tpu.memory_space<vmem>>, vector<512x256xf32>
    %get3A_5 = arith.constant 0 : index
    %get3A_6 = arith.constant 0 : index
    %get3A_7 = arith.constant 0 : index
    %get3A_8 = vector.load %arg3[%get3A_5, %get3A_6, %get3A_7] : memref<1x512x256xf32, #tpu.memory_space<vmem>>, vector<1x512x256xf32>
    %get3A_9 = vector.shape_cast %get3A_8 : vector<1x512x256xf32> to vector<512x256xf32>
    %concatenate3A = tpu.concatenate %get3A_1, %get3A_4, %get3A_9 in 1 : vector<512x256xf32>, vector<512x256xf32>, vector<512x256xf32> -> vector<512x768xf32>
    %swap3A = arith.constant 0 : index
    %swap3A_10 = arith.constant 0 : index
    %swap3A_11 = arith.constant 0 : index
    %swap3A_12 = vector.load %arg10[%swap3A, %swap3A_10, %swap3A_11] : memref<1x512x768xf32, #tpu.memory_space<vmem>>, vector<1x512x768xf32>
    %swap3A_13 = vector.shape_cast %swap3A_12 : vector<1x512x768xf32> to vector<512x768xf32>
    %swap3A_14 = vector.shape_cast %concatenate3A : vector<512x768xf32> to vector<1x512x768xf32>
    tpu.vector_store %arg10[%swap3A, %swap3A_10, %swap3A_11], %swap3A_14 {strides = array<i32>} : memref<1x512x768xf32, #tpu.memory_space<vmem>>, vector<1x512x768xf32>,
    %convert_element_type3A = arith.truncf %concatenate3A : vector<512x768xf32> to vector<512x768xbf16>
    %get3A_15 = arith.constant 0 : index
    %get3A_16 = arith.constant 0 : index
    %get3A_17 = vector.load %arg4[%get3A_15, %get3A_16] : memref<768x150xf32, #tpu.memory_space<vmem>>, vector<768x150xf32>
    %convert_element_type3A_18 = arith.truncf %get3A_17 : vector<768x150xf32> to vector<768x150xbf16>
    %dot_general3A = arith.constant dense<0.000000e+00> : vector<512x150xf32>
    %dot_general3A_19 = tpu.matmul %convert_element_type3A, %convert_element_type3A_18, %dot_general3A {dimension_numbers = #tpu.dot_dimension_numbers<[1], [0], [0], [1], [0, 0, 1, 1], [], []>, transpose_lhs_hint = false} : vector<512x768xbf16>, vector<768x150xbf16>, vector<512x150xf32> -> vector<512x150xf32>
    %get3A_20 = arith.constant 0 : index
    %get3A_21 = vector.load %arg5[%get3A_20] : memref<150xf32, #tpu.memory_space<vmem>>, vector<150xf32>
    %broadcast_in_dim3A = vector.shape_cast %get3A_21 : vector<150xf32> to vector<1x150xf32>
    %add3A = vector.broadcast %broadcast_in_dim3A : vector<1x150xf32> to vector<512x150xf32>
    %add3A_22 = arith.addf %dot_general3A_19, %add3A : vector<512x150xf32>
    %max3A = arith.constant 0.000000e+00 : f32
    %max3A_23 = vector.broadcast %max3A : f32 to vector<512x150xf32>
    %max3A_24 = arith.maximumf %add3A_22, %max3A_23 : vector<512x150xf32>
    %convert_element_type3A_25 = arith.truncf %max3A_24 : vector<512x150xf32> to vector<512x150xbf16>
    %get3A_26 = arith.constant 0 : index
    %get3A_27 = arith.constant 0 : index
    %get3A_28 = vector.load %arg6[%get3A_26, %get3A_27] : memref<150x150xf32, #tpu.memory_space<vmem>>, vector<150x150xf32>
    %convert_element_type3A_29 = arith.truncf %get3A_28 : vector<150x150xf32> to vector<150x150xbf16>
    %dot_general3A_30 = arith.constant dense<0.000000e+00> : vector<512x150xf32>
    %dot_general3A_31 = tpu.matmul %convert_element_type3A_25, %convert_element_type3A_29, %dot_general3A_30 {dimension_numbers = #tpu.dot_dimension_numbers<[1], [0], [0], [1], [0, 0, 1, 1], [], []>, transpose_lhs_hint = false} : vector<512x150xbf16>, vector<150x150xbf16>, vector<512x150xf32> -> vector<512x150xf32>
    %get3A_32 = arith.constant 0 : index
    %get3A_33 = vector.load %arg7[%get3A_32] : memref<150xf32, #tpu.memory_space<vmem>>, vector<150xf32>
    %broadcast_in_dim3A_34 = vector.shape_cast %get3A_33 : vector<150xf32> to vector<1x150xf32>
    %add3A_35 = vector.broadcast %broadcast_in_dim3A_34 : vector<1x150xf32> to vector<512x150xf32>
    %add3A_36 = arith.addf %dot_general3A_31, %add3A_35 : vector<512x150xf32>
    %max3A_37 = arith.constant 0.000000e+00 : f32
    %max3A_38 = vector.broadcast %max3A_37 : f32 to vector<512x150xf32>
    %max3A_39 = arith.maximumf %add3A_36, %max3A_38 : vector<512x150xf32>
    %convert_element_type3A_40 = arith.truncf %max3A_39 : vector<512x150xf32> to vector<512x150xbf16>
    %get3A_41 = arith.constant 0 : index
    %get3A_42 = arith.constant 0 : index
    %get3A_43 = vector.load %arg8[%get3A_41, %get3A_42] : memref<150x1xf32, #tpu.memory_space<vmem>>, vector<150x1xf32>
    %convert_element_type3A_44 = arith.truncf %get3A_43 : vector<150x1xf32> to vector<150x1xbf16>
    %dot_general3A_45 = arith.constant dense<0.000000e+00> : vector<512x1xf32>
    %dot_general3A_46 = tpu.matmul %convert_element_type3A_40, %convert_element_type3A_44, %dot_general3A_45 {dimension_numbers = #tpu.dot_dimension_numbers<[1], [0], [0], [1], [0, 0, 1, 1], [], []>, transpose_lhs_hint = false} : vector<512x150xbf16>, vector<150x1xbf16>, vector<512x1xf32> -> vector<512x1xf32>
    %get3A_47 = arith.constant 0 : index
    %get3A_48 = vector.load %arg9[%get3A_47] : memref<1xf32, #tpu.memory_space<vmem>>, vector<1xf32>
    %broadcast_in_dim3A_49 = vector.shape_cast %get3A_48 : vector<1xf32> to vector<1x1xf32>
    %add3A_50 = vector.broadcast %broadcast_in_dim3A_49 : vector<1x1xf32> to vector<512x1xf32>
    %add3A_51 = arith.addf %dot_general3A_46, %add3A_50 : vector<512x1xf32>
    %swap3A_52 = arith.constant 0 : index
    %swap3A_53 = arith.constant 0 : index
    %swap3A_54 = arith.constant 0 : index
    %swap3A_55 = vector.load %arg11[%swap3A_52, %swap3A_53, %swap3A_54] : memref<1x512x1xf32, #tpu.memory_space<vmem>>, vector<1x512x1xf32>
    %swap3A_56 = vector.shape_cast %swap3A_55 : vector<1x512x1xf32> to vector<512x1xf32>
    %swap3A_57 = vector.shape_cast %add3A_51 : vector<512x1xf32> to vector<1x512x1xf32>
    tpu.vector_store %arg11[%swap3A_52, %swap3A_53, %swap3A_54], %swap3A_57 {strides = array<i32>} : memref<1x512x1xf32, #tpu.memory_space<vmem>>, vector<1x512x1xf32>,
    return
  }
  func.func @transform_0(%arg0: i32) -> (i32, i32) {
    %c0_i32 = arith.constant 0 : i32
    %c0_i32_0 = arith.constant 0 : i32
    return %arg0, %c0_i32 : i32, i32
  }
  func.func @transform_1(%arg0: i32) -> (i32, i32) {
    %c0_i32 = arith.constant 0 : i32
    %c0_i32_0 = arith.constant 0 : i32
    return %arg0, %c0_i32 : i32, i32
  }
  func.func @transform_2(%arg0: i32) -> (i32, i32, i32) {
    %c0_i32 = arith.constant 0 : i32
    %c0_i32_0 = arith.constant 0 : i32
    %c0_i32_1 = arith.constant 0 : i32
    return %arg0, %c0_i32, %c0_i32_0 : i32, i32, i32
  }
  func.func @transform_3(%arg0: i32) -> (i32, i32) {
    %c0_i32 = arith.constant 0 : i32
    %c0_i32_0 = arith.constant 0 : i32
    %c0_i32_1 = arith.constant 0 : i32
    return %c0_i32, %c0_i32_0 : i32, i32
  }
  func.func @transform_4(%arg0: i32) -> i32 {
    %c0_i32 = arith.constant 0 : i32
    %c0_i32_0 = arith.constant 0 : i32
    return %c0_i32 : i32
  }
  func.func @transform_5(%arg0: i32) -> (i32, i32) {
    %c0_i32 = arith.constant 0 : i32
    %c0_i32_0 = arith.constant 0 : i32
    %c0_i32_1 = arith.constant 0 : i32
    return %c0_i32, %c0_i32_0 : i32, i32
  }
  func.func @transform_6(%arg0: i32) -> i32 {
    %c0_i32 = arith.constant 0 : i32
    %c0_i32_0 = arith.constant 0 : i32
    return %c0_i32 : i32
  }
  func.func @transform_7(%arg0: i32) -> (i32, i32) {
    %c0_i32 = arith.constant 0 : i32
    %c0_i32_0 = arith.constant 0 : i32
    %c0_i32_1 = arith.constant 0 : i32
    return %c0_i32, %c0_i32_0 : i32, i32
  }
  func.func @transform_8(%arg0: i32) -> i32 {
    %c0_i32 = arith.constant 0 : i32
    %c0_i32_0 = arith.constant 0 : i32
    return %c0_i32 : i32
  }
  func.func @transform_9(%arg0: i32) -> (i32, i32, i32) {
    %c0_i32 = arith.constant 0 : i32
    %c0_i32_0 = arith.constant 0 : i32
    %c0_i32_1 = arith.constant 0 : i32
    return %arg0, %c0_i32, %c0_i32_0 : i32, i32, i32
  }
  func.func @transform_10(%arg0: i32) -> (i32, i32, i32) {
    %c0_i32 = arith.constant 0 : i32
    %c0_i32_0 = arith.constant 0 : i32
    %c0_i32_1 = arith.constant 0 : i32
    return %arg0, %c0_i32, %c0_i32_0 : i32, i32, i32
  }
}

module attributes {stable_mosaic.version = 14 : i64} {
  func.func @_attn_weighted_body(%arg0: i32, %arg1: memref<1x2048x256xf32, #tpu.memory_space<vmem>>, %arg2: memref<8x512xi32, #tpu.memory_space<vmem>>, %arg3: memref<8x512xi32, #tpu.memory_space<vmem>>, %arg4: memref<256x150xf32, #tpu.memory_space<vmem>>, %arg5: memref<150xf32, #tpu.memory_space<vmem>>, %arg6: memref<150x150xf32, #tpu.memory_space<vmem>>, %arg7: memref<150xf32, #tpu.memory_space<vmem>>, %arg8: memref<150x1xf32, #tpu.memory_space<vmem>>, %arg9: memref<1xf32, #tpu.memory_space<vmem>>, %arg10: memref<1x512x256xf32, #tpu.memory_space<vmem>>) attributes {dimension_semantics = [#tpu.dimension_semantics<arbitrary>], iteration_bounds = array<i64: 8>, scalar_prefetch = 0 : i64, scratch_operands = 0 : i64, tpu.core_type = #tpu.core_type<tc>, window_params = [{transform_indices = @transform_0, window_bounds = array<i64: 1, 2048, 256>}, {pipeline_mode = #tpu.pipeline_mode<synchronous>, transform_indices = @transform_1, window_bounds = array<i64: 8, 512>}, {pipeline_mode = #tpu.pipeline_mode<synchronous>, transform_indices = @transform_2, window_bounds = array<i64: 8, 512>}, {pipeline_mode = #tpu.pipeline_mode<synchronous>, transform_indices = @transform_3, window_bounds = array<i64: 256, 150>}, {pipeline_mode = #tpu.pipeline_mode<synchronous>, transform_indices = @transform_4, window_bounds = array<i64: 150>}, {pipeline_mode = #tpu.pipeline_mode<synchronous>, transform_indices = @transform_5, window_bounds = array<i64: 150, 150>}, {pipeline_mode = #tpu.pipeline_mode<synchronous>, transform_indices = @transform_6, window_bounds = array<i64: 150>}, {pipeline_mode = #tpu.pipeline_mode<synchronous>, transform_indices = @transform_7, window_bounds = array<i64: 150, 1>}, {pipeline_mode = #tpu.pipeline_mode<synchronous>, transform_indices = @transform_8, window_bounds = array<i64: 1>}, {transform_indices = @transform_9, window_bounds = array<i64: 1, 512, 256>}]} {
    %get3A = arith.constant 0 : index
    %get3A_0 = arith.constant 0 : index
    %get3A_1 = arith.constant 0 : index
    %get3A_2 = vector.load %arg1[%get3A, %get3A_0, %get3A_1] : memref<1x2048x256xf32, #tpu.memory_space<vmem>>, vector<1x2048x256xf32>
    %get3A_3 = vector.shape_cast %get3A_2 : vector<1x2048x256xf32> to vector<2048x256xf32>
    %convert_element_type3A = arith.truncf %get3A_3 : vector<2048x256xf32> to vector<2048x256xbf16>
    %get3A_4 = arith.constant 0 : index
    %get3A_5 = arith.constant 0 : index
    %get3A_6 = vector.load %arg4[%get3A_4, %get3A_5] : memref<256x150xf32, #tpu.memory_space<vmem>>, vector<256x150xf32>
    %convert_element_type3A_7 = arith.truncf %get3A_6 : vector<256x150xf32> to vector<256x150xbf16>
    %dot_general3A = arith.constant dense<0.000000e+00> : vector<2048x150xf32>
    %dot_general3A_8 = tpu.matmul %convert_element_type3A, %convert_element_type3A_7, %dot_general3A {dimension_numbers = #tpu.dot_dimension_numbers<[1], [0], [0], [1], [0, 0, 1, 1], [], []>, transpose_lhs_hint = false} : vector<2048x256xbf16>, vector<256x150xbf16>, vector<2048x150xf32> -> vector<2048x150xf32>
    %get3A_9 = arith.constant 0 : index
    %get3A_10 = vector.load %arg5[%get3A_9] : memref<150xf32, #tpu.memory_space<vmem>>, vector<150xf32>
    %broadcast_in_dim3A = vector.shape_cast %get3A_10 : vector<150xf32> to vector<1x150xf32>
    %add3A = vector.broadcast %broadcast_in_dim3A : vector<1x150xf32> to vector<2048x150xf32>
    %add3A_11 = arith.addf %dot_general3A_8, %add3A : vector<2048x150xf32>
    %max3A = arith.constant 0.000000e+00 : f32
    %max3A_12 = vector.broadcast %max3A : f32 to vector<2048x150xf32>
    %max3A_13 = arith.maximumf %add3A_11, %max3A_12 : vector<2048x150xf32>
    %convert_element_type3A_14 = arith.truncf %max3A_13 : vector<2048x150xf32> to vector<2048x150xbf16>
    %get3A_15 = arith.constant 0 : index
    %get3A_16 = arith.constant 0 : index
    %get3A_17 = vector.load %arg6[%get3A_15, %get3A_16] : memref<150x150xf32, #tpu.memory_space<vmem>>, vector<150x150xf32>
    %convert_element_type3A_18 = arith.truncf %get3A_17 : vector<150x150xf32> to vector<150x150xbf16>
    %dot_general3A_19 = arith.constant dense<0.000000e+00> : vector<2048x150xf32>
    %dot_general3A_20 = tpu.matmul %convert_element_type3A_14, %convert_element_type3A_18, %dot_general3A_19 {dimension_numbers = #tpu.dot_dimension_numbers<[1], [0], [0], [1], [0, 0, 1, 1], [], []>, transpose_lhs_hint = false} : vector<2048x150xbf16>, vector<150x150xbf16>, vector<2048x150xf32> -> vector<2048x150xf32>
    %get3A_21 = arith.constant 0 : index
    %get3A_22 = vector.load %arg7[%get3A_21] : memref<150xf32, #tpu.memory_space<vmem>>, vector<150xf32>
    %broadcast_in_dim3A_23 = vector.shape_cast %get3A_22 : vector<150xf32> to vector<1x150xf32>
    %add3A_24 = vector.broadcast %broadcast_in_dim3A_23 : vector<1x150xf32> to vector<2048x150xf32>
    %add3A_25 = arith.addf %dot_general3A_20, %add3A_24 : vector<2048x150xf32>
    %max3A_26 = arith.constant 0.000000e+00 : f32
    %max3A_27 = vector.broadcast %max3A_26 : f32 to vector<2048x150xf32>
    %max3A_28 = arith.maximumf %add3A_25, %max3A_27 : vector<2048x150xf32>
    %convert_element_type3A_29 = arith.truncf %max3A_28 : vector<2048x150xf32> to vector<2048x150xbf16>
    %get3A_30 = arith.constant 0 : index
    %get3A_31 = arith.constant 0 : index
    %get3A_32 = vector.load %arg8[%get3A_30, %get3A_31] : memref<150x1xf32, #tpu.memory_space<vmem>>, vector<150x1xf32>
    %convert_element_type3A_33 = arith.truncf %get3A_32 : vector<150x1xf32> to vector<150x1xbf16>
    %dot_general3A_34 = arith.constant dense<0.000000e+00> : vector<2048x1xf32>
    %dot_general3A_35 = tpu.matmul %convert_element_type3A_29, %convert_element_type3A_33, %dot_general3A_34 {dimension_numbers = #tpu.dot_dimension_numbers<[1], [0], [0], [1], [0, 0, 1, 1], [], []>, transpose_lhs_hint = false} : vector<2048x150xbf16>, vector<150x1xbf16>, vector<2048x1xf32> -> vector<2048x1xf32>
    %get3A_36 = arith.constant 0 : index
    %get3A_37 = vector.load %arg9[%get3A_36] : memref<1xf32, #tpu.memory_space<vmem>>, vector<1xf32>
    %broadcast_in_dim3A_38 = vector.shape_cast %get3A_37 : vector<1xf32> to vector<1x1xf32>
    %add3A_39 = vector.broadcast %broadcast_in_dim3A_38 : vector<1x1xf32> to vector<2048x1xf32>
    %add3A_40 = arith.addf %dot_general3A_35, %add3A_39 : vector<2048x1xf32>
    %mul3A = vector.broadcast %add3A_40 : vector<2048x1xf32> to vector<2048x256xf32>
    %mul3A_41 = arith.mulf %get3A_3, %mul3A : vector<2048x256xf32>
    %convert_element_type3A_42 = arith.truncf %mul3A_41 : vector<2048x256xf32> to vector<2048x256xbf16>
    %iota3A = tpu.iota {dimensions = array<i32: 0>} : vector<2048x512xi32>
    %get3A_43 = arith.index_cast %arg0 : i32 to index
    %get3A_44 = arith.constant 0 : index
    %get3A_45 = vector.load %arg2[%get3A_43, %get3A_44] : memref<8x512xi32, #tpu.memory_space<vmem>>, vector<1x512xi32>
    %get3A_46 = arith.index_cast %arg0 : i32 to index
    %get3A_47 = arith.constant 0 : index
    %get3A_48 = vector.load %arg3[%get3A_46, %get3A_47] : memref<8x512xi32, #tpu.memory_space<vmem>>, vector<1x512xi32>
    %add3A_49 = arith.addi %get3A_45, %get3A_48 : vector<1x512xi32>
    %ge3A = vector.broadcast %get3A_45 : vector<1x512xi32> to vector<2048x512xi32>
    %ge3A_50 = arith.cmpi sge, %iota3A, %ge3A : vector<2048x512xi32>
    %le3A = vector.broadcast %add3A_49 : vector<1x512xi32> to vector<2048x512xi32>
    %le3A_51 = arith.cmpi sle, %iota3A, %le3A : vector<2048x512xi32>
    %and3A = arith.andi %ge3A_50, %le3A_51 : vector<2048x512xi1>
    %convert_element_type3A_52 = arith.extui %and3A : vector<2048x512xi1> to vector<2048x512xi32>
    %convert_element_type3A_53 = arith.sitofp %convert_element_type3A_52 : vector<2048x512xi32> to vector<2048x512xf32>
    %convert_element_type3A_54 = arith.truncf %convert_element_type3A_53 : vector<2048x512xf32> to vector<2048x512xbf16>
    %dot_general3A_55 = arith.constant dense<0.000000e+00> : vector<512x256xf32>
    %dot_general3A_56 = tpu.matmul %convert_element_type3A_54, %convert_element_type3A_42, %dot_general3A_55 {dimension_numbers = #tpu.dot_dimension_numbers<[0], [0], [1], [1], [0, 1, 1, 1], [], []>, transpose_lhs_hint = false} : vector<2048x512xbf16>, vector<2048x256xbf16>, vector<512x256xf32> -> vector<512x256xf32>
    %swap3A = arith.constant 0 : index
    %swap3A_57 = arith.constant 0 : index
    %swap3A_58 = arith.constant 0 : index
    %swap3A_59 = vector.load %arg10[%swap3A, %swap3A_57, %swap3A_58] : memref<1x512x256xf32, #tpu.memory_space<vmem>>, vector<1x512x256xf32>
    %swap3A_60 = vector.shape_cast %swap3A_59 : vector<1x512x256xf32> to vector<512x256xf32>
    %swap3A_61 = vector.shape_cast %dot_general3A_56 : vector<512x256xf32> to vector<1x512x256xf32>
    tpu.vector_store %arg10[%swap3A, %swap3A_57, %swap3A_58], %swap3A_61 {strides = array<i32>} : memref<1x512x256xf32, #tpu.memory_space<vmem>>, vector<1x512x256xf32>,
    return
  }
  func.func @transform_0(%arg0: i32) -> (i32, i32, i32) {
    %c0_i32 = arith.constant 0 : i32
    %c0_i32_0 = arith.constant 0 : i32
    %c0_i32_1 = arith.constant 0 : i32
    return %arg0, %c0_i32, %c0_i32_0 : i32, i32, i32
  }
  func.func @transform_1(%arg0: i32) -> (i32, i32) {
    %c0_i32 = arith.constant 0 : i32
    %c0_i32_0 = arith.constant 0 : i32
    %c0_i32_1 = arith.constant 0 : i32
    return %c0_i32, %c0_i32_0 : i32, i32
  }
  func.func @transform_2(%arg0: i32) -> (i32, i32) {
    %c0_i32 = arith.constant 0 : i32
    %c0_i32_0 = arith.constant 0 : i32
    %c0_i32_1 = arith.constant 0 : i32
    return %c0_i32, %c0_i32_0 : i32, i32
  }
  func.func @transform_3(%arg0: i32) -> (i32, i32) {
    %c0_i32 = arith.constant 0 : i32
    %c0_i32_0 = arith.constant 0 : i32
    %c0_i32_1 = arith.constant 0 : i32
    return %c0_i32, %c0_i32_0 : i32, i32
  }
  func.func @transform_4(%arg0: i32) -> i32 {
    %c0_i32 = arith.constant 0 : i32
    %c0_i32_0 = arith.constant 0 : i32
    return %c0_i32 : i32
  }
  func.func @transform_5(%arg0: i32) -> (i32, i32) {
    %c0_i32 = arith.constant 0 : i32
    %c0_i32_0 = arith.constant 0 : i32
    %c0_i32_1 = arith.constant 0 : i32
    return %c0_i32, %c0_i32_0 : i32, i32
  }
  func.func @transform_6(%arg0: i32) -> i32 {
    %c0_i32 = arith.constant 0 : i32
    %c0_i32_0 = arith.constant 0 : i32
    return %c0_i32 : i32
  }
  func.func @transform_7(%arg0: i32) -> (i32, i32) {
    %c0_i32 = arith.constant 0 : i32
    %c0_i32_0 = arith.constant 0 : i32
    %c0_i32_1 = arith.constant 0 : i32
    return %c0_i32, %c0_i32_0 : i32, i32
  }
  func.func @transform_8(%arg0: i32) -> i32 {
    %c0_i32 = arith.constant 0 : i32
    %c0_i32_0 = arith.constant 0 : i32
    return %c0_i32 : i32
  }
  func.func @transform_9(%arg0: i32) -> (i32, i32, i32) {
    %c0_i32 = arith.constant 0 : i32
    %c0_i32_0 = arith.constant 0 : i32
    %c0_i32_1 = arith.constant 0 : i32
    return %arg0, %c0_i32, %c0_i32_0 : i32, i32, i32
  }
}

</mosaic_0001>

<sc_bundles>
// kernel: kernel.5.cloned.1.call-start
scs
__scs_entry_jumppad:
0x0: {  	(pc) =	sbr.rel $0x88, $3  }
0x1: {  	(tag) =	ssettag $0x0;
	lr =	simm.s32 $0x1  }
0x2: {  	[smem:$0x3F92] =	sst lr;
	_ =	strace $0xD0000000  }
0x3: {  	_ = 	snop  }
0x4: {  	_ = 	snop  }
0x5: {  	_ = 	snop  }
0x6: {  	_ = 	snop  }
0x7: {  	_ = 	snop  }
__scs_overlays_trampoline_lowered:
0x8: {  	[smem:$0x3FA1] =	sst s0  }
0x9: {  	[smem:$0x3FA2] =	sst s1  }
0xa: {  	[smem:$0x3FA3] =	sst s2  }
0xb: {  	[smem:$0x3FA4] =	sst s3  }
0xc: {  	[smem:$0x3FA5] =	sst s4  }
0xd: {  	[smem:$0x3FA6] =	sst s5  }
0xe: {  	[smem:$0x3FA7] =	sst s6  }
0xf: {  	[smem:$0x3FA8] =	sst s7  }
0x10: {  	[smem:$0x3FA9] =	sst s8  }
0x11: {  	[smem:$0x3FAA] =	sst s9;
	s0 =	simm.s32 @!p0 $0x0  }
0x12: {  	s1 =	sld [smem:$0x3F90];
	s0 =	simm.s32 @p0 $0x1  }
0x13: {  	[smem:$0x3FAB] =	sst s0;
	s0 =	simm.s32 @!p1 $0x0  }
0x14: {  	s2 =	sld [smem:$0x3F8F];
	s0 =	simm.s32 @p1 $0x1  }
0x15: {  	[smem:$0x3FAC] =	sst s0;
	s0 =	simm.s32 @!p2 $0x0  }
0x16: {  	s3 =	sld [smem:$0x3FDB];
	s0 =	simm.s32 @p2 $0x1  }
0x17: {  	s4 =	simm.s32 $0x1BF5;
	[smem:$0x3FAE] =	sst s0  }
0x18: {  	s0 =	sld [smem:$0x3F91];
	_ =	swait.ge [sflag:s4], $0x0  }
0x19: {  	s7 =	sld [smem:$0x3F92]  }
0x1a: {  	s8 =	sadd.s32 $0xFFFFE003, lr  }
0x1b: {  	s9 =	sadd.s32 $0xFFFFFEF7, lr;
	s5 =	simm.s32 $0xFFFFFFFF;
	p2 =	slt.u32 s8, $0xFFFFF086  }
0x1c: {  	p1 =	slt.u32 s9, $0xF7A;
	s5 =	simm.s32 @!p2 $0x0  }
0x1d: {  	s5 =	simm.s32 @p1 $0x1;
	p0 =	seq.s32 s7, s2  }
0x1e: {  	s7 =	smul.u32 @!p0 $0xF7A, s2;
	p2 =	seq.s32 @!p0 s5, $0x0  }
0x1f: {  	s9 =	smul.u32 $0xF7A, s1;
	s8 =	simm.s32 @!p0 $0x1BF5;
	p2 =	por !p2, p0  }
0x20: {  	[sflag:s8] =	ssyncset.s32 @!p0 $0xFFFFF086;
	s6 =	sadd.s32 @!p0 s3, s7;
	s7 =	simm.s32 @!p0 $0x108  }
0x21: {  	s3 =	sadd.s32 s3, s9;
	s6 =	sadd.s32 @!p0 $0x88, s6;
	s7 =	simm.s32 @p2 $0x1082  }
0x22: {  	[simem:s7], [sflag:s8] =	dma.local @!p0 [hbm:s6], $0xF7A  }
0x23: {  	s9 =	sor.u32 $0xD0000000, s2;
	s6 =	simm.s32 $0x108;
	_ =	swait.ge @!p0 [sflag:s8], $0x0  }
0x24: {  	s3 =	sadd.s32 $0x88, s3;
	s6 =	simm.s32 @!p1 $0x1082;
	[sflag:s4] =	ssyncset.s32 $0xFFFFF086  }
0x25: {  	[simem:s6], [sflag:s4] =	dma.local [hbm:s3], $0xF7A  }
0x26: {  	[smem:$0x3F92] =	sst s1;
	(tag) =	ssettag s2;
	_ =	strace s9  }
0x27: {  	s1 =	sld [smem:$0x3FA2]  }
0x28: {  	s2 =	sld [smem:$0x3FA3]  }
0x29: {  	s4 =	sld [smem:$0x3FA5]  }
0x2a: {  	p0 =	seq.s32 s5, $0x0;
	s5 =	sld [smem:$0x3FA6]  }
0x2b: {  	s6 =	sld [smem:$0x3FA7]  }
0x2c: {  	s7 =	sld [smem:$0x3FA8]  }
0x2d: {  	s3 =	simm.s32 $0x108;
	s8 =	sld [smem:$0x3FA9]  }
0x2e: {  	s3 =	simm.s32 @!p0 $0x1082;
	s9 =	sld [smem:$0x3FAA]  }
0x2f: {  	lr =	sadd.s32 s0, s3;
	s0 =	sld [smem:$0x3FA1]  }
0x30: {  	s3 =	sld [smem:$0x3FA4]  }
0x31: {  	[smem:$0x3FAD] =	sst s10  }
0x32: {  	s10 =	sld [smem:$0x3FAB];
	_ =	sdelay $0x3  }
0x33: {  	p0 =	seq.s32 s10, $0x1;
	s10 =	sld [smem:$0x3FAD];
	_ =	sdelay $0x3  }
0x34: {  	[smem:$0x3FAD] =	sst s10  }
0x35: {  	s10 =	sld [smem:$0x3FAC];
	_ =	sdelay $0x3  }
0x36: {  	p1 =	seq.s32 s10, $0x1;
	s10 =	sld [smem:$0x3FAD];
	_ =	sdelay $0x3  }
0x37: {  	[smem:$0x3FAD] =	sst s10  }
0x38: {  	s10 =	sld [smem:$0x3FAE]  }
0x39: {  	_ = 	snop;
	(pc) =	sbr.ind lr, $3  }
0x3a: {  	_ = 	snop  }
0x3b: {  	_ = 	snop  }
0x3c: {  	p2 =	seq.s32 s10, $0x1;
	s10 =	sld [smem:$0x3FAD]  }
0x3d: {  	_ =	shalt  }
0x3e: {  	_ =	shalt  }
0x3f: {  	_ =	shalt  }
0x40: {  	_ =	shalt  }
0x41: {  	_ =	shalt  }
0x42: {  	_ =	shalt  }
0x43: {  	_ =	shalt  }
0x44: {  	_ =	shalt  }
0x45: {  	_ =	shalt  }
0x46: {  	_ =	shalt  }
0x47: {  	_ =	shalt  }
0x48: {  	_ =	shalt  }
0x49: {  	_ =	shalt  }
0x4a: {  	_ =	shalt  }
0x4b: {  	_ =	shalt  }
0x4c: {  	_ =	shalt  }
0x4d: {  	_ =	shalt  }
0x4e: {  	_ =	shalt  }
0x4f: {  	_ =	shalt  }
0x50: {  	_ =	shalt  }
0x51: {  	_ =	shalt  }
0x52: {  	_ =	shalt  }
0x53: {  	_ =	shalt  }
0x54: {  	_ =	shalt  }
0x55: {  	_ =	shalt  }
0x56: {  	_ =	shalt  }
0x57: {  	_ =	shalt  }
0x58: {  	_ =	shalt  }
0x59: {  	_ =	shalt  }
0x5a: {  	_ =	shalt  }
0x5b: {  	_ =	shalt  }
0x5c: {  	_ =	shalt  }
0x5d: {  	_ =	shalt  }
0x5e: {  	_ =	shalt  }
0x5f: {  	_ =	shalt  }
0x60: {  	_ =	shalt  }
0x61: {  	_ =	shalt  }
0x62: {  	_ =	shalt  }
0x63: {  	_ =	shalt  }
0x64: {  	_ =	shalt  }
0x65: {  	_ =	shalt  }
0x66: {  	_ =	shalt  }
0x67: {  	_ =	shalt  }
0x68: {  	_ =	shalt  }
0x69: {  	_ =	shalt  }
0x6a: {  	_ =	shalt  }
0x6b: {  	_ =	shalt  }
0x6c: {  	_ =	shalt  }
0x6d: {  	_ =	shalt  }
0x6e: {  	_ =	shalt  }
0x6f: {  	_ =	shalt  }
0x70: {  	_ =	shalt  }
0x71: {  	_ =	shalt  }
0x72: {  	_ =	shalt  }
0x73: {  	_ =	shalt  }
0x74: {  	_ =	shalt  }
0x75: {  	_ =	shalt  }
0x76: {  	_ =	shalt  }
0x77: {  	_ =	shalt  }
0x78: {  	_ =	shalt  }
0x79: {  	_ =	shalt  }
0x7a: {  	_ =	shalt  }
0x7b: {  	_ =	shalt  }
0x7c: {  	_ =	shalt  }
0x7d: {  	_ =	shalt  }
0x7e: {  	_ =	shalt  }
0x7f: {  	_ =	shalt  }
0x80: {  	_ =	shalt  }
0x81: {  	_ =	shalt  }
0x82: {  	_ =	shalt  }
0x83: {  	_ =	shalt  }
0x84: {  	_ =	shalt  }
0x85: {  	_ =	shalt  }
0x86: {  	_ =	shalt  }
0x87: {  	_ =	shalt  }
.Lfunc_end0:
.L_simem_size_0:
called_computation_lowered:
.L_overlay_start_0:
0x88: {  	s2 =	sld [smem:$0x3FD9]  }
0x89: {  	s3 =	sld [smem:$0x3FFE];
	_ =	sdelay $0x1  }
0x8a: {  	s1 =	srdreg.scid  }
0x8b: {  	s0 =	sand.u32 $0x1, s1  }
0x8c: {  	s14 =	sshll.u32 s0, $0xA;
	s2 =	sadd.s32 s3, s2  }
0x8d: {  	s2 =	sadd.s32 s2, s14  }
0x8e: {  	[smem:$0x3FB9] =	sst s2  }
0x8f: {  	_ = 	snop  }
0x90: {  	s2 =	sld [smem:$0x3FD0]  }
0x91: {  	s15 =	sld [smem:$0x3FC9]  }
0x92: {  	s4 =	sld [smem:$0x3FC8]  }
0x93: {  	s6 =	simm.s32 $0xA;
	s7 =	simm.s32 $0x10;
	s5 =	sld [smem:$0x3FC7]  }
0x94: {  	[smem:s7], [sflag:s6] =	dma.local [hbm:s2], $0x1  }
0x95: {  	_ =	swait.eq [sflag:s6], $0x1  }
0x96: {  	[sflag:s6] =	ssyncset.done $0x0  }
0x97: {  	[sflag:s6] =	ssyncadd.s32 $0xFFFFFFFF  }
0x98: {  	s16 =	sld [smem:$0x10];
	(tm) =	ssettm $0x1  }
0x99: {  	s17 =	sld [smem:$0x3FFB];
	_ =	sdelay $0x3  }
0x9a: {  	_ =	strace s17  }
0x9b: {  	s6 =	sld [smem:$0x3FFC];
	_ =	sdelay $0x3  }
0x9c: {  	_ =	strace s6  }
0x9d: {  	s6 =	sld [smem:$0x3FFD];
	_ =	sdelay $0x3  }
0x9e: {  	_ =	strace s6  }
0x9f: {  	_ =	strace $0x8FFFFFFF  }
0xa0: {  	s18 =	sld [smem:$0x3FDB];
	_ =	sdelay $0x1  }
0xa1: {  	s19 =	simm.s32 $_scs_section_size  }
0xa2: {  	s8 =	simm.s32 $_size__tile_overlayer_lowered;
	s9 =	simm.s32 $_tile_overlayer_lowered  }
0xa3: {  	s22 =	simm.s32 $0x1BFF;
	s21 =	sshll.u32 s9, $0x1;
	s6 =	sadd.s32 s19, s18  }
0xa4: {  	s10 =	simm.s32 $0x0;
	s20 =	sshll.u32 s8, $0x1;
	s8 =	sadd.s32 s21, s6  }
0xa5: {  	[timem:s10], [sflag:s22] =	dma.local [hbm:s8], s20  }
0xa6: {  	_ =	swait.ge [sflag:s22], s20  }
0xa7: {  	s7 =	ssub.s32 $0x0, s20;
	[sflag:s22] =	ssyncset.done $0x0  }
0xa8: {  	[sflag:s22] =	ssyncadd.s32 s7;
	_ =	sdelay $0x1  }
0xa9: {  	s23 =	simm.s32 $0x1B8B  }
0xaa: {  	_ =	swait.ge [sflag:s23], $0x1  }
0xab: {  	[sflag:s23] =	ssyncset.done $0x0  }
0xac: {  	s25 =	simm.s32 $0x1B8E;
	s24 =	sld [smem:$0x3FFE];
	[sflag:s23] =	ssyncadd.s32 $0xFFFFFFFF  }
0xad: {  	s26 =	simm.s32 $execute0_lowered;
	[smem:$0x3FD2] =	sst s25  }
0xae: {  	s8 =	sshll.u32 s26, $0x1;
	_ =	strace $0x80000046;
	[dreg:$0x1] =	wrdreg $0xFFFFFFFF  }
0xaf: {  	s28 =	simm.s32 $_size_execute0_lowered;
	s6 =	sadd.s32 s6, s8;
	[dreg:$0x0] =	wrdreg $0x0  }
0xb0: {  	s8 =	sshll.u32 s28, $0x1;
	[dreg:$0x2] =	wrdreg s6  }
0xb1: {  	[dreg:$0x3] =	wrdreg s8  }
0xb2: {  	[dreg:$0x4] =	wrdreg $0xC0  }
0xb3: {  	_ =	task [dreg:s10], $0x5FFFF  }
0xb4: {  	[dreg:$0x1] =	wrdreg $0xFFFFFFFF  }
0xb5: {  	[dreg:$0x0] =	wrdreg $0x60  }
0xb6: {  	[dreg:$0x2] =	wrdreg s15  }
0xb7: {  	[dreg:$0x3] =	wrdreg s4  }
0xb8: {  	[dreg:$0x4] =	wrdreg s5  }
0xb9: {  	[dreg:$0x5] =	wrdreg s16  }
0xba: {  	[dreg:$0x6] =	wrdreg s24  }
0xbb: {  	[dreg:$0x7] =	wrdreg $0x9  }
0xbc: {  	_ =	task.clear_ibuf [dreg:s10], $0x8FFFF;
	_ =	strace $0x90000046  }
0xbd: {  	s29 =	simm.s32 $0x9;
	_ =	strace $0x80000048  }
0xbe: {  	_ =	swait.ge [sflag:s29], $0x1  }
0xbf: {  	[sflag:s29] =	ssyncadd.s32 $0xFFFFFFFF  }
0xc0: {  	_ =	strace $0x90000048  }
0xc1: {  	_ =	sfence  }
0xc2: {  	s30 =	sld [smem:$0x0];
	_ =	sdelay $0x2  }
0xc3: {  	s31 =	sshll.u32 s1, $0xD;
	s1 =	sshrl.u32 s1, $0x2  }
0xc4: {  	s3 =	sand.u32 $0x4000, s31;
	s1 =	sadd.s32 s1, s30  }
0xc5: {  	s0 =	sor.u32 s3, s0;
	s1 =	sshll.u32 s1, $0x11  }
0xc6: {  	s0 =	sor.u32 s1, s0  }
0xc7: {  	s0 =	sadd.s32 $0x8F2B, s0  }
0xc8: {  	[sflag:s0] =	ssyncadd.remote.s32 $0x1  }
0xc9: {  	_ =	sfence.sel $0xFFFF  }
0xca: {  	[dreg:$0x0] =	wrdreg $0xFFFFFFFF;
	(pc) =	sbr.abs _section_cstart, $3  }
0xcb: {  	[dreg:$0x1] =	wrdreg $0xFFFFFFFF  }
0xcc: {  	_ =	task.clear_ibuf [dreg:s10], $0x2FFFF;
	_ =	strace $0x9FFFFFFF  }
0xcd: {  	(tm) =	ssettm $0x7FFFFFFF  }
tec
execute0_lowered:
.L_overlay_start_1:
0x0: {  	(tag) =	ssettag $0x1  }
0x1: {  	s1 =	rddreg [dreg:$0x0]  }
0x2: {  	s4 =	rddreg [dreg:$0x1]  }
0x3: {  	s5 =	rddreg [dreg:$0x2]  }
0x4: {  	s2 =	srdreg.scid;
	s8 =	rddreg [dreg:$0x3]  }
0x5: {  	s0 =	stileid.u32;
	s10 =	rddreg [dreg:$0x4]  }
0x6: {  	s16 =	simm.s32 $0x80;
	s17 =	simm.s32 $0xA00;
	s18 =	simm.s32 $0x1200  }
0x7: {  	s19 =	simm.s32 $0x1A00;
	s21 =	simm.s32 $0x2200;
	s22 =	simm.s32 $0x2A00  }
0x8: {  	s23 =	simm.s32 $0x3200;
	s2 =	sand.u32 $0x1, s2;
	s3 =	sshll.u32 s0, $0x1  }
0x9: {  	s24 =	simm.s32 $0x3A00;
	s7 =	sshrl.u32 s0, $0x1;
	s6 =	sor.u32 s2, s3  }
0xa: {  	s25 =	simm.s32 $0x4200;
	s9 =	sshll.u32 s7, $0xC;
	s3 =	sshll.u32 s6, $0xA  }
0xb: {  	s6 =	sshll.u32 s6, $0xC;
	s9 =	ssub.s32 s3, s9;
	s3 =	simm.s32 $0x0  }
0xc: {  	s13 =	sadd.s32 s6, s10;
	s14 =	sadd.s32 s8, s6;
	[smem:$0x7FF] =	sst s3  }
0xd: {  	s15 =	sadd.s32 $0x3600, s13;
	_ =	strace $0x80000047;
	[dreg:$0x8] =	wrdreg s14  }
0xe: {  	s28 =	simm.s32 $0xEA00;
	s29 =	simm.s32 $0xF200;
	[dreg:$0x9] =	wrdreg s15  }
0xf: {  	s30 =	simm.s32 $0xFA00;
	s31 =	simm.s32 $0x1;
	[dreg:$0xa] =	wrdreg s16  }
0x10: {  	s11 =	sshll.u32 s7, $0x7;
	s2 =	ssub.s32 $0x2, s2;
	[dreg:$0xb] =	wrdreg s17  }
0x11: {  	s26 =	sshll.u32 s7, $0xB;
	s20 =	sshrl.u32 s2, $0x1;
	[dreg:$0xc] =	wrdreg s18  }
0x12: {  	v0 =	vmov s26;
	s26 =	simm.s32 $0xE200;
	s2 =	ssub.s32 s2, s20;
	[dreg:$0xd] =	wrdreg s19  }
0x13: {  	s6 =	simm.s32 $0x200;
	s8 =	simm.s32 $0x5200;
	[dreg:$0xe] =	wrdreg s21  }
0x14: {  	s10 =	simm.s32 $0x6200;
	s20 =	simm.s32 $0xB200;
	[dreg:$0xf] =	wrdreg s22  }
0x15: {  	s9 =	sor.u32 s11, s9;
	s11 =	simm.s32 $0x6A00;
	[dreg:$0x10] =	wrdreg s23  }
0x16: {  	s13 =	simm.s32 $0x7A00;
	s9 =	sshrl.u32 s9, $0x3;
	[dreg:$0x11] =	wrdreg s24  }
0x17: {  	[dreg:$0x12] =	wrdreg s25;
	s14 =	simm.s32 $0x8200;
	s15 =	simm.s32 $0x8A00  }
0x18: {  	s16 =	simm.s32 $0x9200;
	s17 =	simm.s32 $0x9A00;
	s18 =	simm.s32 $0xA200  }
0x19: {  	s19 =	simm.s32 $0xAA00;
	s21 =	simm.s32 $0xBA00;
	s22 =	simm.s32 $0xC200  }
0x1a: {  	s23 =	simm.s32 $0xCA00;
	s24 =	simm.s32 $0xD200;
	s4 =	sadd.s32 s4, s9  }
0x1b: {  	v3 =	vlaneseq.u32;
	s25 =	simm.s32 $0xDA00;
	s12 =	sadd.s32 s5, s9;
	[dreg:$0x6] =	wrdreg s4  }
0x1c: {  	vm0 =	vmmov $0xffff;
	v2 =	vshrl.u32 v3, $0x3;
	s5 =	simm.s32 $0x3;
	s9 =	simm.s32 $0x5A00;
	[dreg:$0x7] =	wrdreg s12  }
0x1d: {  	v1 =	vand.u32 $0x7, v3;
	v3 =	vor.u32 $0x8, v3;
	v2 =	vmul.u32 $0x8, v2;
	s4 =	smax.u32 s2, $0x1;
	s12 =	simm.s32 $0x7200;
	s2 =	simm.s32 $0x2  }
.LBB2_1:
0x1e: {  	s0 =	rddreg [dreg:$0x6]  }
0x1f: {  	[tilespmem:s3], [sflag:$0x3] =	stream.linear.gather [hbm4b:s0+s3], $0x80, $0x38;
	[tilespmem:$0x10200] =	vst v63  }
0x20: {  	_ =	swait.ge [sflag:s5], $0x80  }
0x21: {  	s0 =	rddreg [dreg:$0x7];
	[sflag:s5] =	ssyncset.done $0x0  }
0x22: {  	s7 =	rddreg [dreg:$0xa];
	[sflag:s5] =	ssyncadd.s32 $0xFFFFFF80  }
0x23: {  	[tilespmem:s7], [sflag:$0x3] =	stream.linear.gather [hbm4b:s0+s3], $0x80, $0x38;
	[tilespmem:$0x10200] =	vst v63  }
0x24: {  	_ =	swait.ge [sflag:s5], $0x80  }
0x25: {  	[sflag:s5] =	ssyncset.done $0x0  }
0x26: {  	[sflag:s5] =	ssyncadd.s32 $0xFFFFFF80  }
0x27: {  	v4 =	vld [tilespmem:$0x0]  }
0x28: {  	v5 =	vld [tilespmem:$0x80]  }
0x29: {  	v6 =	vld [tilespmem:$0x10]  }
0x2a: {  	v7 =	vld [tilespmem:$0x90]  }
0x2b: {  	v8 =	vld [tilespmem:$0x20]  }
0x2c: {  	v9 =	vld [tilespmem:$0xA0]  }
0x2d: {  	v10 =	vld [tilespmem:$0x30];
	v4 =	vadd.s32 v0, v4  }
0x2e: {  	[tilespmem:$0x100] =	vst v4;
	v4 =	vadd.s32 v4, v5;
	v5 =	vld [tilespmem:$0xB0]  }
0x2f: {  	[tilespmem:$0x180] =	vst v4;
	v4 =	vadd.s32 v0, v6;
	v56 =	vld [tilespmem:$0x100]  }
0x30: {  	v57 =	vld [tilespmem:$0x40];
	[tilespmem:$0x110] =	vst v4;
	v4 =	vadd.s32 v4, v7  }
0x31: {  	v58 =	vld [tilespmem:$0xC0];
	[tilespmem:$0x190] =	vst v4;
	v4 =	vadd.s32 v0, v8  }
0x32: {  	v59 =	vld [tilespmem:$0x50];
	[tilespmem:$0x120] =	vst v4;
	v4 =	vadd.s32 v4, v9  }
0x33: {  	v60 =	vld [tilespmem:$0xD0];
	[tilespmem:$0x1A0] =	vst v4;
	v4 =	vadd.s32 v0, v10  }
0x34: {  	[tilespmem:$0x130] =	vst v4;
	v4 =	vadd.s32 v4, v5;
	v5 =	vld [tilespmem:$0x60];
	v11 =	vshll.u32 v56, $0x1  }
0x35: {  	v61 =	vld [tilespmem:$0xE0];
	v6 =	vand.u32 $0x7, v56;
	[tilespmem:$0x1B0] =	vst v4;
	v4 =	vadd.s32 v0, v57;
	v11 =	vand.u32 $0xFFFFFFF0, v11  }
0x36: {  	v62 =	vld [tilespmem:$0x70];
	[tilespmem:$0x140] =	vst v4;
	v4 =	vadd.s32 v4, v58;
	v6 =	vor.u32 v6, v11  }
0x37: {  	v63 =	vld [tilespmem:$0xF0];
	[tilespmem:$0x1C0] =	vst v4;
	v4 =	vadd.s32 v0, v59;
	v11 =	vperm.xlane v6, v1  }
0x38: {  	[tilespmem:$0x150] =	vst v4;
	v4 =	vadd.s32 v4, v60  }
0x39: {  	v6 =	vperm.xlane v6, v3;
	[tilespmem:$0x1D0] =	vst v4;
	v4 =	vadd.s32 v0, v5;
	v5 =	vadd.s32 v2, v11  }
0x3a: {  	[tilespmem:$0x160] =	vst v4;
	v4 =	vadd.s32 v4, v61  }
0x3b: {  	v6 =	vadd.s32 v2, v6;
	[tilespmem:$0x1E0] =	vst v4;
	v4 =	vadd.s32 v0, v62  }
0x3c: {  	[tilespmem:$0x170] =	vst v4;
	v4 =	vadd.s32 v4, v63  }
0x3d: {  	[tilespmem:$0x1F0] =	vst v4  }
0x3e: {  	[tilespmem:s6], [sflag:$0x1] =	stream.indirect_vreg.gather [hbm4b:s1+s3], $0x80, v5, vm0, $0xb8;
	[tilespmem:$0x10200] =	vst v63  }
0x3f: {  	s7 =	rddreg [dreg:$0xb]  }
0x40: {  	[tilespmem:s7], [sflag:$0x1] =	stream.indirect_vreg.gather [hbm4b:s1+s3], $0x80, v6, vm0, $0xb8;
	[tilespmem:$0x10200] =	vst v63  }
0x41: {  	v4 =	vld [tilespmem:$0x110];
	_ =	sdelay $0x4  }
0x42: {  	v5 =	vshll.u32 v4, $0x1  }
0x43: {  	v4 =	vand.u32 $0x7, v4;
	v5 =	vand.u32 $0xFFFFFFF0, v5  }
0x44: {  	v4 =	vor.u32 v4, v5  }
0x45: {  	v5 =	vperm.xlane v4, v1;
	_ =	sdelay $0x1  }
0x46: {  	v4 =	vperm.xlane v4, v3;
	v5 =	vadd.s32 v2, v5;
	_ =	sdelay $0x1  }
0x47: {  	v4 =	vadd.s32 v2, v4;
	_ =	sdelay $0x1  }
0x48: {  	s0 =	rddreg [dreg:$0xc]  }
0x49: {  	[tilespmem:s0], [sflag:$0x1] =	stream.indirect_vreg.gather [hbm4b:s1+s3], $0x80, v5, vm0, $0xb8;
	[tilespmem:$0x10200] =	vst v63  }
0x4a: {  	s7 =	rddreg [dreg:$0xd]  }
0x4b: {  	[tilespmem:s7], [sflag:$0x1] =	stream.indirect_vreg.gather [hbm4b:s1+s3], $0x80, v4, vm0, $0xb8;
	[tilespmem:$0x10200] =	vst v63  }
0x4c: {  	v4 =	vld [tilespmem:$0x120];
	_ =	sdelay $0x4  }
0x4d: {  	v5 =	vshll.u32 v4, $0x1  }
0x4e: {  	v4 =	vand.u32 $0x7, v4;
	v5 =	vand.u32 $0xFFFFFFF0, v5  }
0x4f: {  	v4 =	vor.u32 v4, v5  }
0x50: {  	v5 =	vperm.xlane v4, v1;
	_ =	sdelay $0x1  }
0x51: {  	v4 =	vperm.xlane v4, v3;
	v5 =	vadd.s32 v2, v5;
	_ =	sdelay $0x1  }
0x52: {  	v4 =	vadd.s32 v2, v4;
	_ =	sdelay $0x1  }
0x53: {  	s0 =	rddreg [dreg:$0xe]  }
0x54: {  	[tilespmem:s0], [sflag:$0x1] =	stream.indirect_vreg.gather [hbm4b:s1+s3], $0x80, v5, vm0, $0xb8;
	[tilespmem:$0x10200] =	vst v63  }
0x55: {  	s7 =	rddreg [dreg:$0xf]  }
0x56: {  	[tilespmem:s7], [sflag:$0x1] =	stream.indirect_vreg.gather [hbm4b:s1+s3], $0x80, v4, vm0, $0xb8;
	[tilespmem:$0x10200] =	vst v63  }
0x57: {  	v4 =	vld [tilespmem:$0x130];
	_ =	sdelay $0x4  }
0x58: {  	v5 =	vshll.u32 v4, $0x1  }
0x59: {  	v4 =	vand.u32 $0x7, v4;
	v5 =	vand.u32 $0xFFFFFFF0, v5  }
0x5a: {  	v4 =	vor.u32 v4, v5  }
0x5b: {  	v5 =	vperm.xlane v4, v1;
	_ =	sdelay $0x1  }
0x5c: {  	v4 =	vperm.xlane v4, v3;
	v5 =	vadd.s32 v2, v5;
	_ =	sdelay $0x1  }
0x5d: {  	v4 =	vadd.s32 v2, v4;
	_ =	sdelay $0x1  }
0x5e: {  	s0 =	rddreg [dreg:$0x10]  }
0x5f: {  	[tilespmem:s0], [sflag:$0x1] =	stream.indirect_vreg.gather [hbm4b:s1+s3], $0x80, v5, vm0, $0xb8;
	[tilespmem:$0x10200] =	vst v63  }
0x60: {  	s7 =	rddreg [dreg:$0x11]  }
0x61: {  	[tilespmem:s7], [sflag:$0x1] =	stream.indirect_vreg.gather [hbm4b:s1+s3], $0x80, v4, vm0, $0xb8;
	[tilespmem:$0x10200] =	vst v63  }
0x62: {  	v4 =	vld [tilespmem:$0x140];
	_ =	sdelay $0x4  }
0x63: {  	v5 =	vshll.u32 v4, $0x1  }
0x64: {  	v4 =	vand.u32 $0x7, v4;
	v5 =	vand.u32 $0xFFFFFFF0, v5  }
0x65: {  	v4 =	vor.u32 v4, v5  }
0x66: {  	v5 =	vperm.xlane v4, v1;
	_ =	sdelay $0x1  }
0x67: {  	v4 =	vperm.xlane v4, v3;
	v5 =	vadd.s32 v2, v5;
	_ =	sdelay $0x1  }
0x68: {  	v4 =	vadd.s32 v2, v4;
	_ =	sdelay $0x1  }
0x69: {  	s7 =	rddreg [dreg:$0x12]  }
0x6a: {  	[tilespmem:s7], [sflag:$0x1] =	stream.indirect_vreg.gather [hbm4b:s1+s3], $0x80, v5, vm0, $0xb8;
	[tilespmem:$0x10200] =	vst v63  }
0x6b: {  	s7 =	simm.s32 $0x4A00  }
0x6c: {  	[tilespmem:s7], [sflag:$0x1] =	stream.indirect_vreg.gather [hbm4b:s1+s3], $0x80, v4, vm0, $0xb8;
	[tilespmem:$0x10200] =	vst v63  }
0x6d: {  	v4 =	vld [tilespmem:$0x150];
	_ =	sdelay $0x4  }
0x6e: {  	v5 =	vshll.u32 v4, $0x1  }
0x6f: {  	v4 =	vand.u32 $0x7, v4;
	v5 =	vand.u32 $0xFFFFFFF0, v5  }
0x70: {  	v4 =	vor.u32 v4, v5  }
0x71: {  	v5 =	vperm.xlane v4, v1;
	_ =	sdelay $0x1  }
0x72: {  	v4 =	vperm.xlane v4, v3;
	v5 =	vadd.s32 v2, v5;
	_ =	sdelay $0x1  }
0x73: {  	v4 =	vadd.s32 v2, v4;
	_ =	sdelay $0x2  }
0x74: {  	[tilespmem:s8], [sflag:$0x1] =	stream.indirect_vreg.gather [hbm4b:s1+s3], $0x80, v5, vm0, $0xb8;
	[tilespmem:$0x10200] =	vst v63  }
0x75: {  	_ = 	snop  }
0x76: {  	[tilespmem:s9], [sflag:$0x1] =	stream.indirect_vreg.gather [hbm4b:s1+s3], $0x80, v4, vm0, $0xb8;
	[tilespmem:$0x10200] =	vst v63  }
0x77: {  	v4 =	vld [tilespmem:$0x160];
	_ =	sdelay $0x4  }
0x78: {  	v5 =	vshll.u32 v4, $0x1  }
0x79: {  	v4 =	vand.u32 $0x7, v4;
	v5 =	vand.u32 $0xFFFFFFF0, v5  }
0x7a: {  	v4 =	vor.u32 v4, v5  }
0x7b: {  	v5 =	vperm.xlane v4, v1;
	_ =	sdelay $0x1  }
0x7c: {  	v4 =	vperm.xlane v4, v3;
	v5 =	vadd.s32 v2, v5;
	_ =	sdelay $0x1  }
0x7d: {  	v4 =	vadd.s32 v2, v4;
	_ =	sdelay $0x2  }
0x7e: {  	[tilespmem:s10], [sflag:$0x1] =	stream.indirect_vreg.gather [hbm4b:s1+s3], $0x80, v5, vm0, $0xb8;
	[tilespmem:$0x10200] =	vst v63  }
0x7f: {  	_ = 	snop  }
0x80: {  	[tilespmem:s11], [sflag:$0x1] =	stream.indirect_vreg.gather [hbm4b:s1+s3], $0x80, v4, vm0, $0xb8;
	[tilespmem:$0x10200] =	vst v63  }
0x81: {  	v4 =	vld [tilespmem:$0x170];
	_ =	sdelay $0x4  }
0x82: {  	v5 =	vshll.u32 v4, $0x1  }
0x83: {  	v4 =	vand.u32 $0x7, v4;
	v5 =	vand.u32 $0xFFFFFFF0, v5  }
0x84: {  	v4 =	vor.u32 v4, v5  }
0x85: {  	v5 =	vperm.xlane v4, v1;
	_ =	sdelay $0x1  }
0x86: {  	v4 =	vperm.xlane v4, v3;
	v5 =	vadd.s32 v2, v5;
	_ =	sdelay $0x1  }
0x87: {  	v4 =	vadd.s32 v2, v4;
	_ =	sdelay $0x2  }
0x88: {  	[tilespmem:s12], [sflag:$0x1] =	stream.indirect_vreg.gather [hbm4b:s1+s3], $0x80, v5, vm0, $0xb8;
	[tilespmem:$0x10200] =	vst v63  }
0x89: {  	_ = 	snop  }
0x8a: {  	[tilespmem:s13], [sflag:$0x1] =	stream.indirect_vreg.gather [hbm4b:s1+s3], $0x80, v4, vm0, $0xb8;
	[tilespmem:$0x10200] =	vst v63  }
0x8b: {  	v4 =	vld [tilespmem:$0x180];
	_ =	sdelay $0x4  }
0x8c: {  	v5 =	vshll.u32 v4, $0x1  }
0x8d: {  	v4 =	vand.u32 $0x7, v4;
	v5 =	vand.u32 $0xFFFFFFF0, v5  }
0x8e: {  	v4 =	vor.u32 v4, v5  }
0x8f: {  	v5 =	vperm.xlane v4, v1;
	_ =	sdelay $0x1  }
0x90: {  	v4 =	vperm.xlane v4, v3;
	v5 =	vadd.s32 v2, v5;
	_ =	sdelay $0x1  }
0x91: {  	v4 =	vadd.s32 v2, v4;
	_ =	sdelay $0x2  }
0x92: {  	[tilespmem:s14], [sflag:$0x2] =	stream.indirect_vreg.gather [hbm4b:s1+s3], $0x80, v5, vm0, $0xb8;
	[tilespmem:$0x10200] =	vst v63  }
0x93: {  	_ = 	snop  }
0x94: {  	[tilespmem:s15], [sflag:$0x2] =	stream.indirect_vreg.gather [hbm4b:s1+s3], $0x80, v4, vm0, $0xb8;
	[tilespmem:$0x10200] =	vst v63  }
0x95: {  	v4 =	vld [tilespmem:$0x190];
	_ =	sdelay $0x4  }
0x96: {  	v5 =	vshll.u32 v4, $0x1  }
0x97: {  	v4 =	vand.u32 $0x7, v4;
	v5 =	vand.u32 $0xFFFFFFF0, v5  }
0x98: {  	v4 =	vor.u32 v4, v5  }
0x99: {  	v5 =	vperm.xlane v4, v1;
	_ =	sdelay $0x1  }
0x9a: {  	v4 =	vperm.xlane v4, v3;
	v5 =	vadd.s32 v2, v5;
	_ =	sdelay $0x1  }
0x9b: {  	v4 =	vadd.s32 v2, v4;
	_ =	sdelay $0x2  }
0x9c: {  	[tilespmem:s16], [sflag:$0x2] =	stream.indirect_vreg.gather [hbm4b:s1+s3], $0x80, v5, vm0, $0xb8;
	[tilespmem:$0x10200] =	vst v63  }
0x9d: {  	_ = 	snop  }
0x9e: {  	[tilespmem:s17], [sflag:$0x2] =	stream.indirect_vreg.gather [hbm4b:s1+s3], $0x80, v4, vm0, $0xb8;
	[tilespmem:$0x10200] =	vst v63  }
0x9f: {  	v4 =	vld [tilespmem:$0x1A0];
	_ =	sdelay $0x4  }
0xa0: {  	v5 =	vshll.u32 v4, $0x1  }
0xa1: {  	v4 =	vand.u32 $0x7, v4;
	v5 =	vand.u32 $0xFFFFFFF0, v5  }
0xa2: {  	v4 =	vor.u32 v4, v5  }
0xa3: {  	v5 =	vperm.xlane v4, v1;
	_ =	sdelay $0x1  }
0xa4: {  	v4 =	vperm.xlane v4, v3;
	v5 =	vadd.s32 v2, v5;
	_ =	sdelay $0x1  }
0xa5: {  	v4 =	vadd.s32 v2, v4;
	_ =	sdelay $0x2  }
0xa6: {  	[tilespmem:s18], [sflag:$0x2] =	stream.indirect_vreg.gather [hbm4b:s1+s3], $0x80, v5, vm0, $0xb8;
	[tilespmem:$0x10200] =	vst v63  }
0xa7: {  	_ = 	snop  }
0xa8: {  	[tilespmem:s19], [sflag:$0x2] =	stream.indirect_vreg.gather [hbm4b:s1+s3], $0x80, v4, vm0, $0xb8;
	[tilespmem:$0x10200] =	vst v63  }
0xa9: {  	v4 =	vld [tilespmem:$0x1B0];
	_ =	sdelay $0x4  }
0xaa: {  	v5 =	vshll.u32 v4, $0x1  }
0xab: {  	v4 =	vand.u32 $0x7, v4;
	v5 =	vand.u32 $0xFFFFFFF0, v5  }
0xac: {  	v4 =	vor.u32 v4, v5  }
0xad: {  	v5 =	vperm.xlane v4, v1;
	_ =	sdelay $0x1  }
0xae: {  	v4 =	vperm.xlane v4, v3;
	v5 =	vadd.s32 v2, v5;
	_ =	sdelay $0x1  }
0xaf: {  	v4 =	vadd.s32 v2, v4;
	_ =	sdelay $0x2  }
0xb0: {  	[tilespmem:s20], [sflag:$0x2] =	stream.indirect_vreg.gather [hbm4b:s1+s3], $0x80, v5, vm0, $0xb8;
	[tilespmem:$0x10200] =	vst v63  }
0xb1: {  	_ = 	snop  }
0xb2: {  	[tilespmem:s21], [sflag:$0x2] =	stream.indirect_vreg.gather [hbm4b:s1+s3], $0x80, v4, vm0, $0xb8;
	[tilespmem:$0x10200] =	vst v63  }
0xb3: {  	v4 =	vld [tilespmem:$0x1C0];
	_ =	sdelay $0x4  }
0xb4: {  	v5 =	vshll.u32 v4, $0x1  }
0xb5: {  	v4 =	vand.u32 $0x7, v4;
	v5 =	vand.u32 $0xFFFFFFF0, v5  }
0xb6: {  	v4 =	vor.u32 v4, v5  }
0xb7: {  	v5 =	vperm.xlane v4, v1;
	_ =	sdelay $0x1  }
0xb8: {  	v4 =	vperm.xlane v4, v3;
	v5 =	vadd.s32 v2, v5;
	_ =	sdelay $0x1  }
0xb9: {  	v4 =	vadd.s32 v2, v4;
	_ =	sdelay $0x2  }
0xba: {  	[tilespmem:s22], [sflag:$0x2] =	stream.indirect_vreg.gather [hbm4b:s1+s3], $0x80, v5, vm0, $0xb8;
	[tilespmem:$0x10200] =	vst v63  }
0xbb: {  	_ = 	snop  }
0xbc: {  	[tilespmem:s23], [sflag:$0x2] =	stream.indirect_vreg.gather [hbm4b:s1+s3], $0x80, v4, vm0, $0xb8;
	[tilespmem:$0x10200] =	vst v63  }
0xbd: {  	v4 =	vld [tilespmem:$0x1D0];
	_ =	sdelay $0x4  }
0xbe: {  	v5 =	vshll.u32 v4, $0x1  }
0xbf: {  	v4 =	vand.u32 $0x7, v4;
	v5 =	vand.u32 $0xFFFFFFF0, v5  }
0xc0: {  	v4 =	vor.u32 v4, v5  }
0xc1: {  	v5 =	vperm.xlane v4, v1;
	_ =	sdelay $0x1  }
0xc2: {  	v4 =	vperm.xlane v4, v3;
	v5 =	vadd.s32 v2, v5;
	_ =	sdelay $0x1  }
0xc3: {  	v4 =	vadd.s32 v2, v4;
	_ =	sdelay $0x2  }
0xc4: {  	[tilespmem:s24], [sflag:$0x2] =	stream.indirect_vreg.gather [hbm4b:s1+s3], $0x80, v5, vm0, $0xb8;
	[tilespmem:$0x10200] =	vst v63  }
0xc5: {  	_ = 	snop  }
0xc6: {  	[tilespmem:s25], [sflag:$0x2] =	stream.indirect_vreg.gather [hbm4b:s1+s3], $0x80, v4, vm0, $0xb8;
	[tilespmem:$0x10200] =	vst v63  }
0xc7: {  	v4 =	vld [tilespmem:$0x1E0];
	_ =	sdelay $0x4  }
0xc8: {  	v5 =	vshll.u32 v4, $0x1  }
0xc9: {  	v4 =	vand.u32 $0x7, v4;
	v5 =	vand.u32 $0xFFFFFFF0, v5  }
0xca: {  	v4 =	vor.u32 v4, v5  }
0xcb: {  	v5 =	vperm.xlane v4, v1;
	_ =	sdelay $0x1  }
0xcc: {  	v4 =	vperm.xlane v4, v3;
	v5 =	vadd.s32 v2, v5;
	_ =	sdelay $0x1  }
0xcd: {  	v4 =	vadd.s32 v2, v4;
	_ =	sdelay $0x2  }
0xce: {  	[tilespmem:s26], [sflag:$0x2] =	stream.indirect_vreg.gather [hbm4b:s1+s3], $0x80, v5, vm0, $0xb8;
	[tilespmem:$0x10200] =	vst v63  }
0xcf: {  	_ = 	snop  }
0xd0: {  	[tilespmem:s28], [sflag:$0x2] =	stream.indirect_vreg.gather [hbm4b:s1+s3], $0x80, v4, vm0, $0xb8;
	[tilespmem:$0x10200] =	vst v63  }
0xd1: {  	v4 =	vld [tilespmem:$0x1F0];
	_ =	sdelay $0x4  }
0xd2: {  	v5 =	vshll.u32 v4, $0x1  }
0xd3: {  	v4 =	vand.u32 $0x7, v4;
	v5 =	vand.u32 $0xFFFFFFF0, v5  }
0xd4: {  	v4 =	vor.u32 v4, v5  }
0xd5: {  	v5 =	vperm.xlane v4, v1;
	_ =	sdelay $0x1  }
0xd6: {  	v4 =	vperm.xlane v4, v3;
	v5 =	vadd.s32 v2, v5;
	_ =	sdelay $0x1  }
0xd7: {  	v4 =	vadd.s32 v2, v4;
	_ =	sdelay $0x2  }
0xd8: {  	[tilespmem:s29], [sflag:$0x2] =	stream.indirect_vreg.gather [hbm4b:s1+s3], $0x80, v5, vm0, $0xb8;
	[tilespmem:$0x10200] =	vst v63  }
0xd9: {  	_ = 	snop  }
0xda: {  	[tilespmem:s30], [sflag:$0x2] =	stream.indirect_vreg.gather [hbm4b:s1+s3], $0x80, v4, vm0, $0xb8;
	[tilespmem:$0x10200] =	vst v63  }
0xdb: {  	_ =	swait.ge [sflag:s31], $0x8000  }
0xdc: {  	[sflag:s31] =	ssyncset.done $0x0  }
0xdd: {  	s7 =	rddreg [dreg:$0x8];
	[sflag:s31] =	ssyncadd.s32 $0xFFFF8000  }
0xde: {  	[hbm4b:s7+s3] =	stream.linear.scatter [tilespmem:s6], [sflag:$0x3], $0x8000, $0x38;
	[tilespmem:$0x10200] =	vst v63  }
0xdf: {  	_ =	swait.ge [sflag:s5], $0x8000  }
0xe0: {  	[sflag:s5] =	ssyncset.done $0x0  }
0xe1: {  	[sflag:s5] =	ssyncadd.s32 $0xFFFF8000  }
0xe2: {  	_ =	swait.ge [sflag:s2], $0x8000  }
0xe3: {  	p0 =	sne.s32 s4, $0x1;
	[sflag:s2] =	ssyncset.done $0x0  }
.Ltmp0:
0xe4: {  	s7 =	rddreg [dreg:$0x9];
	[sflag:s2] =	ssyncadd.s32 $0xFFFF8000;
	(pc) =	sbr.rel @p0 .LBB2_1-.Ltmp0, $4  }
0xe5: {  	[hbm4b:s7+s3] =	stream.linear.scatter [tilespmem:s14], [sflag:$0x3], $0x8000, $0x38;
	[tilespmem:$0x10200] =	vst v63  }
0xe6: {  	_ =	swait.ge [sflag:s5], $0x8000  }
0xe7: {  	[sflag:s5] =	ssyncset.done $0x0  }
0xe8: {  	s4 =	sadd.s32 $0xFFFFFFFF, s4;
	[sflag:s5] =	ssyncadd.s32 $0xFFFF8000  }
0xe9: {  	_ =	sfence.sel $0x180000  }
0xea: {  	[bflag:$0x0] =	sbarrier.arrive $0xFFFF  }
0xeb: {  	_ =	strace $0x90000047  }
0xec: {  	s0 =	stileid.u32;
	[bflag:$0x2] =	sbarrier.arrive $0xFFFF  }
0xed: {  	p0 =	sne.s32 s0, $0x0;
	s0 =	rddreg [dreg:$0x5]  }
0xee: {  	s0 =	sadd.s32 @!p0 $0x100000, s0  }
0xef: {  	[sflag:s0] =	ssyncadd.tile.s32 @!p0 $0x1;
	_ =	shalt  }
.Lfunc_end2:
_tile_overlayer_lowered:
.L_overlay_start_2:
0xf0: {  	(tag) =	ssettag $0x2  }
0xf1: {  	s0 =	rddreg [dreg:$0x0];
	s2 =	stileid.u32  }
0xf2: {  	s1 =	rddreg [dreg:$0x1];
	p0 =	sne.s32 s2, $0x0  }
0xf3: {  	s3 =	rddreg [dreg:$0x2];
	[bflag:$0x3] =	sbarrier.arrive $0xFFFF;
	s2 =	simm.s32 @!p0 $0x1C03  }
0xf4: {  	[timem:s3], [sflag:s2] =	dma.local @!p0 [hbm:s0], s1  }
0xf5: {  	s0 =	simm.s32 @!p0 $0x3  }
0xf6: {  	_ =	swait.ge @!p0 [sflag:s0], s1  }
0xf7: {  	s1 =	ssub.s32 @!p0 $0x0, s1;
	[sflag:s0] =	ssyncset.done @!p0 $0x0  }
0xf8: {  	[sflag:s0] =	ssyncadd.s32 @!p0 s1  }
0xf9: {  	[bflag:$0x3] =	sbarrier.arrive $0xFFFF  }
0xfa: {  	_ =	shalt  }

</sc_bundles>
